<compile_context>
chip_gen: v7x
topology: tpu7x:2x2x1
jax: 0.10.2.dev20260603
libtpu: 0.0.44.dev20260713+nightly
codegen_flags: <defaults>
</compile_context>

<pallas_src>
import jax
import jax.numpy as jnp
from jax import lax
from jax.experimental import pallas as pl
from jax.experimental.pallas import tpu as pltpu
from jax.experimental.pallas import tpu_sc as plsc

E = 64
D = 1024
H = 4096
TOPK = 2
BALANCE_COEFF = 0.01
N_TOK = 32
HT = 1024
NH = H // HT
L = 16
NCH = E // L


def _logits_kernel(x_ref, wg_ref, out_ref):
    out_ref[...] = jax.lax.dot_general(
        x_ref[...], wg_ref[...], (((1,), (1,)), ((), ())),
        preferred_element_type=jnp.float32)


def _route_kernel(logits_hbm, g_hbm, meta_hbm, aux_hbm,
                  logits_v, g_v, ids_v, row_v):
    cid = lax.axis_index("c")
    sid = lax.axis_index("s")

    @pl.when((cid == 0) & (sid == 0))
    def _run():
        pltpu.sync_copy(logits_hbm, logits_v)
        lanes = jax.lax.broadcasted_iota(jnp.int32, (L,), 0)
        zeros = jnp.zeros((L,), jnp.float32)

        def token_body(t, counts):
            chunks = [logits_v[t, pl.ds(c * L, L)] for c in range(NCH)]
            m1 = jnp.max(chunks[0])
            for c in range(1, NCH):
                m1 = jnp.maximum(m1, jnp.max(chunks[c]))
            idx1 = jnp.int32(E)
            for c in range(NCH):
                cand = jnp.min(jnp.where(chunks[c] == m1, lanes + c * L, E))
                idx1 = jnp.minimum(idx1, cand)
            masked = [jnp.where(lanes + c * L == idx1, -1e30, chunks[c])
                      for c in range(NCH)]
            m2 = jnp.max(masked[0])
            for c in range(1, NCH):
                m2 = jnp.maximum(m2, jnp.max(masked[c]))
            idx2 = jnp.int32(E)
            for c in range(NCH):
                cand = jnp.min(jnp.where(masked[c] == m2, lanes + c * L, E))
                idx2 = jnp.minimum(idx2, cand)
            s = jnp.exp(jnp.full((L,), m2 - m1, jnp.float32))
            g1 = 1.0 / (1.0 + s)
            g2 = s / (1.0 + s)
            new_counts = []
            for c in range(NCH):
                eids = lanes + c * L
                sel1 = eids == idx1
                sel2 = eids == idx2
                g_v[t, pl.ds(c * L, L)] = (jnp.where(sel1, g1, zeros)
                                           + jnp.where(sel2, g2, zeros))
                new_counts.append(counts[c]
                                  + jnp.where(sel1, 1.0, 0.0)
                                  + jnp.where(sel2, 1.0, 0.0))
            return tuple(new_counts)

        counts = lax.fori_loop(0, N_TOK, token_body,
                               tuple(zeros for _ in range(NCH)))
        pltpu.sync_copy(g_v, g_hbm)

        aux = jnp.float32(0.0)
        for c in range(NCH):
            load = counts[c] * (1.0 / (N_TOK * TOPK))
            aux = aux + jnp.sum(load * load)
        aux = BALANCE_COEFF * (E * aux)
        row_v[pl.ds(0, L)] = jnp.where(lanes == 0, jnp.full((L,), aux), zeros)
        pltpu.sync_copy(row_v, aux_hbm)

        sel = [counts[c] > 0.0 for c in range(NCH)]
        selF = [jnp.where(sel[c], 1.0, 0.0) for c in range(NCH)]
        nsel = [jnp.sum(selF[c]) for c in range(NCH)]
        off = jnp.float32(0.0)
        ranks = []
        for c in range(NCH):
            ranks.append(plsc.cumsum(selF[c]) - selF[c] + off)
            off = off + nsel[c]
        n = off
        last_id = jnp.float32(0.0)
        for c in range(NCH):
            eidsF = (lanes + c * L).astype(jnp.float32)
            hit = sel[c] & (ranks[c] == n - 1.0)
            last_id = last_id + jnp.sum(jnp.where(hit, eidsF, 0.0))
        for c in range(NCH):
            plsc.store_scatter(ids_v, [ranks[c].astype(jnp.int32)],
                               lanes + c * L, mask=sel[c])
        n_i = n.astype(jnp.int32)
        last_i = last_id.astype(jnp.int32)
        for c in range(NCH):
            pos = lanes + c * L
            vec = ids_v[pl.ds(c * L, L)]
            ids_v[pl.ds(c * L, L)] = jnp.where(pos < n_i, vec, last_i)
        izeros = jnp.zeros((L,), jnp.int32)
        for c in range(NCH, 8):
            pos = lanes + c * L
            ids_v[pl.ds(c * L, L)] = jnp.where(pos == E, n_i, izeros)
        pltpu.sync_copy(ids_v, meta_hbm)


def _ffn_kernel(meta_ref, x_ref, g_ref, w1_ref, b1_ref, w2_ref, b2_ref,
                out_ref):
    i = pl.program_id(0)
    h = pl.program_id(1)

    @pl.when((i == 0) & (h == 0))
    def _init():
        out_ref[...] = jnp.zeros_like(out_ref)

    n = meta_ref[E]

    @pl.when(i < n)
    def _body():
        e = meta_ref[i]
        lane = jax.lax.broadcasted_iota(jnp.int32, (N_TOK, E), 1)
        w = jnp.sum(jnp.where(lane == e, g_ref[...], 0.0),
                    axis=1, keepdims=True)
        hp = jax.lax.dot_general(
            x_ref[...], w1_ref[0], (((1,), (1,)), ((), ())),
            preferred_element_type=jnp.float32)
        hp = hp + b1_ref[0, :, pl.ds(h * HT, HT)]
        hp = hp * jax.nn.sigmoid(hp)
        yp = jax.lax.dot_general(
            hp, w2_ref[0], (((1,), (1,)), ((), ())),
            preferred_element_type=jnp.float32)
        yp = yp + jnp.where(h == 0, 1.0, 0.0) * b2_ref[0]
        out_ref[...] += w * yp


@jax.jit
def kernel(x, Wg, W1, b1, W2, b2):
    orig_shape = x.shape
    x_flat = x.reshape(-1, x.shape[-1])

    logits = pl.pallas_call(
        _logits_kernel,
        out_shape=jax.ShapeDtypeStruct((N_TOK, E), jnp.float32),
    )(x_flat, Wg)

    route = pl.kernel(
        _route_kernel,
        out_type=(
            jax.ShapeDtypeStruct((N_TOK, E), jnp.float32),
            jax.ShapeDtypeStruct((128,), jnp.int32),
            jax.ShapeDtypeStruct((L,), jnp.float32),
        ),
        mesh=plsc.VectorSubcoreMesh(core_axis_name="c", subcore_axis_name="s",
                                    num_cores=2, num_subcores=16),
        scratch_types=[
            pltpu.VMEM((N_TOK, E), jnp.float32),
            pltpu.VMEM((N_TOK, E), jnp.float32),
            pltpu.VMEM((128,), jnp.int32),
            pltpu.VMEM((L,), jnp.float32),
        ],
        compiler_params=pltpu.CompilerParams(needs_layout_passes=False),
    )
    G, meta, aux = route(logits)

    b1r = b1.reshape(E, 1, H)
    b2r = b2.reshape(E, 1, D)

    def _w1_map(i, h, m):
        pad = i >= m[E]
        return (m[i], jnp.where(pad, NH - 1, h), 0)

    def _w2_map(i, h, m):
        pad = i >= m[E]
        return (m[i], 0, jnp.where(pad, NH - 1, h))

    def _eb_map(i, h, m):
        return (m[i], 0, 0)

    def _const_map(i, h, m):
        return (0, 0)

    grid_spec = pltpu.PrefetchScalarGridSpec(
        num_scalar_prefetch=1,
        grid=(E, NH),
        in_specs=[
            pl.BlockSpec((N_TOK, D), _const_map),
            pl.BlockSpec((N_TOK, E), _const_map),
            pl.BlockSpec((1, HT, D), _w1_map),
            pl.BlockSpec((1, 1, H), _eb_map),
            pl.BlockSpec((1, D, HT), _w2_map),
            pl.BlockSpec((1, 1, D), _eb_map),
        ],
        out_specs=pl.BlockSpec((N_TOK, D), _const_map),
    )

    out = pl.pallas_call(
        _ffn_kernel,
        grid_spec=grid_spec,
        out_shape=jax.ShapeDtypeStruct((N_TOK, D), jnp.float32),
        compiler_params=pltpu.CompilerParams(
            dimension_semantics=("arbitrary", "arbitrary")),
    )(meta, x_flat, G, W1, b1r, W2, b2r)

    output = out.reshape(orig_shape)
    aux_loss = jnp.reshape(aux[0:1], ())
    return output, aux_loss

# --- scband reference (transcript-rebuilt; emitter-appended) ---
"""Pipeline reference for scband-mo-elayer-49478023250021 (READ-ONLY COPY).

The authoritative reference and input builder live on the scoring server;
editing this copy changes nothing except your own understanding.
"""

import jax, jax.numpy as jnp
import numpy as np

E = 64
D = 1024
H = 4096
TOPK = 2
BALANCE_COEFF = 0.01


def setup_inputs(seed: int = 0) -> dict:
    key = jax.random.key(seed)
    ks = jax.random.split(key, 6)
    x = jax.random.normal(ks[0], (32, D), dtype=jnp.float32)
    s_in = 1.0 / np.sqrt(D)
    s_hid = 1.0 / np.sqrt(H)
    Wg = jax.random.uniform(ks[1], (E, D), minval=-s_in, maxval=s_in, dtype=jnp.float32)
    W1 = jax.random.uniform(ks[2], (E, H, D), minval=-s_in, maxval=s_in, dtype=jnp.float32)
    b1 = jax.random.uniform(ks[3], (E, H), minval=-s_in, maxval=s_in, dtype=jnp.float32)
    W2 = jax.random.uniform(ks[4], (E, D, H), minval=-s_hid, maxval=s_hid, dtype=jnp.float32)
    b2 = jax.random.uniform(ks[5], (E, D), minval=-s_hid, maxval=s_hid, dtype=jnp.float32)
    return {"x": x, "Wg": Wg, "W1": W1, "b1": b1, "W2": W2, "b2": b2}


def reference(x, Wg, W1, b1, W2, b2):
    orig_shape = x.shape
    if x.ndim == 3:
        x_flat = x.reshape(-1, x.shape[-1])
    else:
        x_flat = x
    n_tok = x_flat.shape[0]
    # gating (eval mode: no noise)
    logits = x_flat @ Wg.T  # [N, E]
    top_k_logits, top_k_indices = jax.lax.top_k(logits, TOPK)  # [N, k]
    gates = jax.nn.softmax(top_k_logits, axis=-1)  # [N, k]
    # load (no_grad in torch -> stop_gradient)
    counts = jnp.zeros((E,), dtype=jnp.float32).at[top_k_indices.reshape(-1)].add(1.0)
    load = jax.lax.stop_gradient(counts / (n_tok * TOPK))
    # experts: dense compute over all experts, then gather selected ones
    # (mathematically identical to the masked per-expert loop in torch)
    h = jnp.einsum('nd,ehd->neh', x_flat, W1) + b1[None, :, :]  # [N, E, H]
    h = jax.nn.silu(h)
    y = jnp.einsum('neh,edh->ned', h, W2) + b2[None, :, :]  # [N, E, D]
    y_sel = jnp.take_along_axis(y, top_k_indices[:, :, None], axis=1)  # [N, k, D]
    output = jnp.sum(gates[:, :, None] * y_sel, axis=1)  # [N, D]
    if len(orig_shape) == 3:
        output = output.reshape(orig_shape)
    aux_loss = BALANCE_COEFF * (E * jnp.sum(load * load))
    return output, aux_loss

if __name__ == "__main__":
    import jax
    _d = setup_inputs()
    print(jax.jit(kernel)(*tuple(_d.values())))

</pallas_src>

<mosaic_0001>
#map = affine_map<(d0, d1) -> (0, 0)>
#map1 = affine_map<(d0, d1) -> (0)>
module attributes {stable_mosaic.version = 14 : i64} {
  func.func @_route_kernel(%arg0: i32, %arg1: i32, %arg2: memref<32x64xf32, #tpu.memory_space<hbm>>, %arg3: memref<32x64xf32, #tpu.memory_space<hbm>>, %arg4: memref<128xi32, #tpu.memory_space<hbm>>, %arg5: memref<16xf32, #tpu.memory_space<hbm>>, %arg6: memref<32x64xf32, #tpu.memory_space<vmem>>, %arg7: memref<32x64xf32, #tpu.memory_space<vmem>>, %arg8: memref<128xi32, #tpu.memory_space<vmem>>, %arg9: memref<16xf32, #tpu.memory_space<vmem>>) attributes {dimension_semantics = [#tpu.dimension_semantics<core_parallel>, #tpu.dimension_semantics<subcore_parallel>], iteration_bounds = array<i64: 2, 16>, scalar_prefetch = 0 : i64, scratch_operands = 4 : i64, tpu.core_type = #tpu.core_type<sc_vector_subcore>, window_params = [{transform_indices = #map}, {transform_indices = #map}, {transform_indices = #map1}, {transform_indices = #map1}]} {
    %eq3A = arith.constant 0 : i32
    %eq3A_0 = arith.cmpi eq, %arg0, %eq3A : i32
    %eq3A_1 = arith.constant 0 : i32
    %eq3A_2 = arith.cmpi eq, %arg1, %eq3A_1 : i32
    %and3A = arith.andi %eq3A_0, %eq3A_2 : i1
    %convert_element_type3A = arith.extui %and3A : i1 to i32
    %cond3A = arith.constant 0 : i32
    %cond3A_3 = arith.cmpi ne, %convert_element_type3A, %cond3A : i32
    scf.if %cond3A_3 {
      "tpu.region"() ({
        %run_scoped3A = tpu.sem_alloc : memref<!tpu.dma_semaphore, #tpu.memory_space<semaphore_mem>>
        tpu.enqueue_dma source(%arg2 : memref<32x64xf32, #tpu.memory_space<hbm>>) target(%arg6 : memref<32x64xf32, #tpu.memory_space<vmem>>) target_semaphore(%run_scoped3A : memref<!tpu.dma_semaphore, #tpu.memory_space<semaphore_mem>>)
        tpu.wait_dma2 semaphore(%run_scoped3A : memref<!tpu.dma_semaphore, #tpu.memory_space<semaphore_mem>>) src(%arg2 : memref<32x64xf32, #tpu.memory_space<hbm>>) dst(%arg6 : memref<32x64xf32, #tpu.memory_space<vmem>>)
        tpu.yield
      }) : () -> ()
      %iota3A = tpu.iota {dimensions = array<i32: 0>} : vector<16xi32>
      %broadcast_in_dim3A = arith.constant 0.000000e+00 : f32
      %broadcast_in_dim3A_4 = vector.broadcast %broadcast_in_dim3A : f32 to vector<16xf32>
      %scan3A = arith.constant 0 : i32
      %scan3A_5 = arith.constant 32 : i32
      %scan3A_6 = arith.addi %scan3A, %scan3A_5 : i32
      %scan3A_7 = arith.constant 1 : i32
      %scan3A_8:4 = scf.for %scan3A_298 = %scan3A to %scan3A_6 step %scan3A_7 iter_args(%scan3A_299 = %broadcast_in_dim3A_4, %scan3A_300 = %broadcast_in_dim3A_4, %scan3A_301 = %broadcast_in_dim3A_4, %scan3A_302 = %broadcast_in_dim3A_4) -> (vector<16xf32>, vector<16xf32>, vector<16xf32>, vector<16xf32>)  : i32 {
        %get3A_303 = arith.index_cast %scan3A_298 : i32 to index
        %get3A_304 = arith.constant 0 : index
        %get3A_305 = tpu.vector_load %arg6[%get3A_303, %get3A_304] {strides = array<i32>} : memref<32x64xf32, #tpu.memory_space<vmem>>, vector<16xf32>,
        %get3A_306 = arith.index_cast %scan3A_298 : i32 to index
        %get3A_307 = arith.constant 16 : index
        %get3A_308 = tpu.vector_load %arg6[%get3A_306, %get3A_307] {strides = array<i32>} : memref<32x64xf32, #tpu.memory_space<vmem>>, vector<16xf32>,
        %get3A_309 = arith.index_cast %scan3A_298 : i32 to index
        %get3A_310 = arith.constant 32 : index
        %get3A_311 = tpu.vector_load %arg6[%get3A_309, %get3A_310] {strides = array<i32>} : memref<32x64xf32, #tpu.memory_space<vmem>>, vector<16xf32>,
        %get3A_312 = arith.index_cast %scan3A_298 : i32 to index
        %get3A_313 = arith.constant 48 : index
        %get3A_314 = tpu.vector_load %arg6[%get3A_312, %get3A_313] {strides = array<i32>} : memref<32x64xf32, #tpu.memory_space<vmem>>, vector<16xf32>,
        %reduce_max3A = arith.constant true
        %reduce_max3A_315 = vector.broadcast %reduce_max3A : i1 to vector<16xi1>
        %reduce_max3A_316 = tpu.scan <max>, %get3A_305 masked %reduce_max3A_315 : vector<16xf32>, vector<16xi1> -> vector<16xf32>
        %reduce_max3A_317 = vector.extract %reduce_max3A_316[15] : f32 from vector<16xf32>
        %reduce_max3A_318 = arith.constant true
        %reduce_max3A_319 = vector.broadcast %reduce_max3A_318 : i1 to vector<16xi1>
        %reduce_max3A_320 = tpu.scan <max>, %get3A_308 masked %reduce_max3A_319 : vector<16xf32>, vector<16xi1> -> vector<16xf32>
        %reduce_max3A_321 = vector.extract %reduce_max3A_320[15] : f32 from vector<16xf32>
        %max3A = arith.maximumf %reduce_max3A_317, %reduce_max3A_321 : f32
        %reduce_max3A_322 = arith.constant true
        %reduce_max3A_323 = vector.broadcast %reduce_max3A_322 : i1 to vector<16xi1>
        %reduce_max3A_324 = tpu.scan <max>, %get3A_311 masked %reduce_max3A_323 : vector<16xf32>, vector<16xi1> -> vector<16xf32>
        %reduce_max3A_325 = vector.extract %reduce_max3A_324[15] : f32 from vector<16xf32>
        %max3A_326 = arith.maximumf %max3A, %reduce_max3A_325 : f32
        %reduce_max3A_327 = arith.constant true
        %reduce_max3A_328 = vector.broadcast %reduce_max3A_327 : i1 to vector<16xi1>
        %reduce_max3A_329 = tpu.scan <max>, %get3A_314 masked %reduce_max3A_328 : vector<16xf32>, vector<16xi1> -> vector<16xf32>
        %reduce_max3A_330 = vector.extract %reduce_max3A_329[15] : f32 from vector<16xf32>
        %max3A_331 = arith.maximumf %max3A_326, %reduce_max3A_330 : f32
        %eq3A_332 = vector.broadcast %max3A_331 : f32 to vector<16xf32>
        %eq3A_333 = arith.cmpf oeq, %get3A_305, %eq3A_332 : vector<16xf32>
        %add3A_334 = arith.constant 0 : i32
        %add3A_335 = vector.broadcast %add3A_334 : i32 to vector<16xi32>
        %add3A_336 = arith.addi %iota3A, %add3A_335 : vector<16xi32>
        %jit3A_337 = arith.constant 64 : i32
        %broadcast_in_dim3A_338 = vector.broadcast %jit3A_337 : i32 to vector<16xi32>
        %select_n3A_339 = arith.select %eq3A_333, %add3A_336, %broadcast_in_dim3A_338 : vector<16xi1>, vector<16xi32>
        %reduce_min3A = arith.constant true
        %reduce_min3A_340 = vector.broadcast %reduce_min3A : i1 to vector<16xi1>
        %reduce_min3A_341 = arith.constant -2147483648 : i32
        %reduce_min3A_342 = vector.broadcast %reduce_min3A_341 : i32 to vector<16xi32>
        %reduce_min3A_343 = arith.xori %select_n3A_339, %reduce_min3A_342 : vector<16xi32>
        %reduce_min3A_344 = tpu.scan <min>, %reduce_min3A_343 masked %reduce_min3A_340 : vector<16xi32>, vector<16xi1> -> vector<16xi32>
        %reduce_min3A_345 = arith.xori %reduce_min3A_344, %reduce_min3A_342 : vector<16xi32>
        %reduce_min3A_346 = vector.extract %reduce_min3A_345[15] : i32 from vector<16xi32>
        %min3A = arith.constant 64 : i32
        %min3A_347 = arith.minsi %min3A, %reduce_min3A_346 : i32
        %eq3A_348 = vector.broadcast %max3A_331 : f32 to vector<16xf32>
        %eq3A_349 = arith.cmpf oeq, %get3A_308, %eq3A_348 : vector<16xf32>
        %add3A_350 = arith.constant 16 : i32
        %add3A_351 = vector.broadcast %add3A_350 : i32 to vector<16xi32>
        %add3A_352 = arith.addi %iota3A, %add3A_351 : vector<16xi32>
        %jit3A_353 = arith.constant 64 : i32
        %broadcast_in_dim3A_354 = vector.broadcast %jit3A_353 : i32 to vector<16xi32>
        %select_n3A_355 = arith.select %eq3A_349, %add3A_352, %broadcast_in_dim3A_354 : vector<16xi1>, vector<16xi32>
        %reduce_min3A_356 = arith.constant true
        %reduce_min3A_357 = vector.broadcast %reduce_min3A_356 : i1 to vector<16xi1>
        %reduce_min3A_358 = arith.constant -2147483648 : i32
        %reduce_min3A_359 = vector.broadcast %reduce_min3A_358 : i32 to vector<16xi32>
        %reduce_min3A_360 = arith.xori %select_n3A_355, %reduce_min3A_359 : vector<16xi32>
        %reduce_min3A_361 = tpu.scan <min>, %reduce_min3A_360 masked %reduce_min3A_357 : vector<16xi32>, vector<16xi1> -> vector<16xi32>
        %reduce_min3A_362 = arith.xori %reduce_min3A_361, %reduce_min3A_359 : vector<16xi32>
        %reduce_min3A_363 = vector.extract %reduce_min3A_362[15] : i32 from vector<16xi32>
        %min3A_364 = arith.minsi %min3A_347, %reduce_min3A_363 : i32
        %eq3A_365 = vector.broadcast %max3A_331 : f32 to vector<16xf32>
        %eq3A_366 = arith.cmpf oeq, %get3A_311, %eq3A_365 : vector<16xf32>
        %add3A_367 = arith.constant 32 : i32
        %add3A_368 = vector.broadcast %add3A_367 : i32 to vector<16xi32>
        %add3A_369 = arith.addi %iota3A, %add3A_368 : vector<16xi32>
        %jit3A_370 = arith.constant 64 : i32
        %broadcast_in_dim3A_371 = vector.broadcast %jit3A_370 : i32 to vector<16xi32>
        %select_n3A_372 = arith.select %eq3A_366, %add3A_369, %broadcast_in_dim3A_371 : vector<16xi1>, vector<16xi32>
        %reduce_min3A_373 = arith.constant true
        %reduce_min3A_374 = vector.broadcast %reduce_min3A_373 : i1 to vector<16xi1>
        %reduce_min3A_375 = arith.constant -2147483648 : i32
        %reduce_min3A_376 = vector.broadcast %reduce_min3A_375 : i32 to vector<16xi32>
        %reduce_min3A_377 = arith.xori %select_n3A_372, %reduce_min3A_376 : vector<16xi32>
        %reduce_min3A_378 = tpu.scan <min>, %reduce_min3A_377 masked %reduce_min3A_374 : vector<16xi32>, vector<16xi1> -> vector<16xi32>
        %reduce_min3A_379 = arith.xori %reduce_min3A_378, %reduce_min3A_376 : vector<16xi32>
        %reduce_min3A_380 = vector.extract %reduce_min3A_379[15] : i32 from vector<16xi32>
        %min3A_381 = arith.minsi %min3A_364, %reduce_min3A_380 : i32
        %eq3A_382 = vector.broadcast %max3A_331 : f32 to vector<16xf32>
        %eq3A_383 = arith.cmpf oeq, %get3A_314, %eq3A_382 : vector<16xf32>
        %add3A_384 = arith.constant 48 : i32
        %add3A_385 = vector.broadcast %add3A_384 : i32 to vector<16xi32>
        %add3A_386 = arith.addi %iota3A, %add3A_385 : vector<16xi32>
        %jit3A_387 = arith.constant 64 : i32
        %broadcast_in_dim3A_388 = vector.broadcast %jit3A_387 : i32 to vector<16xi32>
        %select_n3A_389 = arith.select %eq3A_383, %add3A_386, %broadcast_in_dim3A_388 : vector<16xi1>, vector<16xi32>
        %reduce_min3A_390 = arith.constant true
        %reduce_min3A_391 = vector.broadcast %reduce_min3A_390 : i1 to vector<16xi1>
        %reduce_min3A_392 = arith.constant -2147483648 : i32
        %reduce_min3A_393 = vector.broadcast %reduce_min3A_392 : i32 to vector<16xi32>
        %reduce_min3A_394 = arith.xori %select_n3A_389, %reduce_min3A_393 : vector<16xi32>
        %reduce_min3A_395 = tpu.scan <min>, %reduce_min3A_394 masked %reduce_min3A_391 : vector<16xi32>, vector<16xi1> -> vector<16xi32>
        %reduce_min3A_396 = arith.xori %reduce_min3A_395, %reduce_min3A_393 : vector<16xi32>
        %reduce_min3A_397 = vector.extract %reduce_min3A_396[15] : i32 from vector<16xi32>
        %min3A_398 = arith.minsi %min3A_381, %reduce_min3A_397 : i32
        %add3A_399 = arith.constant 0 : i32
        %add3A_400 = vector.broadcast %add3A_399 : i32 to vector<16xi32>
        %add3A_401 = arith.addi %iota3A, %add3A_400 : vector<16xi32>
        %eq3A_402 = vector.broadcast %min3A_398 : i32 to vector<16xi32>
        %eq3A_403 = arith.cmpi eq, %add3A_401, %eq3A_402 : vector<16xi32>
        %jit3A_404 = arith.constant -1.000000e+30 : f32
        %broadcast_in_dim3A_405 = vector.broadcast %jit3A_404 : f32 to vector<16xf32>
        %select_n3A_406 = arith.select %eq3A_403, %broadcast_in_dim3A_405, %get3A_305 : vector<16xi1>, vector<16xf32>
        %add3A_407 = arith.constant 16 : i32
        %add3A_408 = vector.broadcast %add3A_407 : i32 to vector<16xi32>
        %add3A_409 = arith.addi %iota3A, %add3A_408 : vector<16xi32>
        %eq3A_410 = vector.broadcast %min3A_398 : i32 to vector<16xi32>
        %eq3A_411 = arith.cmpi eq, %add3A_409, %eq3A_410 : vector<16xi32>
        %jit3A_412 = arith.constant -1.000000e+30 : f32
        %broadcast_in_dim3A_413 = vector.broadcast %jit3A_412 : f32 to vector<16xf32>
        %select_n3A_414 = arith.select %eq3A_411, %broadcast_in_dim3A_413, %get3A_308 : vector<16xi1>, vector<16xf32>
        %add3A_415 = arith.constant 32 : i32
        %add3A_416 = vector.broadcast %add3A_415 : i32 to vector<16xi32>
        %add3A_417 = arith.addi %iota3A, %add3A_416 : vector<16xi32>
        %eq3A_418 = vector.broadcast %min3A_398 : i32 to vector<16xi32>
        %eq3A_419 = arith.cmpi eq, %add3A_417, %eq3A_418 : vector<16xi32>
        %jit3A_420 = arith.constant -1.000000e+30 : f32
        %broadcast_in_dim3A_421 = vector.broadcast %jit3A_420 : f32 to vector<16xf32>
        %select_n3A_422 = arith.select %eq3A_419, %broadcast_in_dim3A_421, %get3A_311 : vector<16xi1>, vector<16xf32>
        %add3A_423 = arith.constant 48 : i32
        %add3A_424 = vector.broadcast %add3A_423 : i32 to vector<16xi32>
        %add3A_425 = arith.addi %iota3A, %add3A_424 : vector<16xi32>
        %eq3A_426 = vector.broadcast %min3A_398 : i32 to vector<16xi32>
        %eq3A_427 = arith.cmpi eq, %add3A_425, %eq3A_426 : vector<16xi32>
        %jit3A_428 = arith.constant -1.000000e+30 : f32
        %broadcast_in_dim3A_429 = vector.broadcast %jit3A_428 : f32 to vector<16xf32>
        %select_n3A_430 = arith.select %eq3A_427, %broadcast_in_dim3A_429, %get3A_314 : vector<16xi1>, vector<16xf32>
        %reduce_max3A_431 = arith.constant true
        %reduce_max3A_432 = vector.broadcast %reduce_max3A_431 : i1 to vector<16xi1>
        %reduce_max3A_433 = tpu.scan <max>, %select_n3A_406 masked %reduce_max3A_432 : vector<16xf32>, vector<16xi1> -> vector<16xf32>
        %reduce_max3A_434 = vector.extract %reduce_max3A_433[15] : f32 from vector<16xf32>
        %reduce_max3A_435 = arith.constant true
        %reduce_max3A_436 = vector.broadcast %reduce_max3A_435 : i1 to vector<16xi1>
        %reduce_max3A_437 = tpu.scan <max>, %select_n3A_414 masked %reduce_max3A_436 : vector<16xf32>, vector<16xi1> -> vector<16xf32>
        %reduce_max3A_438 = vector.extract %reduce_max3A_437[15] : f32 from vector<16xf32>
        %max3A_439 = arith.maximumf %reduce_max3A_434, %reduce_max3A_438 : f32
        %reduce_max3A_440 = arith.constant true
        %reduce_max3A_441 = vector.broadcast %reduce_max3A_440 : i1 to vector<16xi1>
        %reduce_max3A_442 = tpu.scan <max>, %select_n3A_422 masked %reduce_max3A_441 : vector<16xf32>, vector<16xi1> -> vector<16xf32>
        %reduce_max3A_443 = vector.extract %reduce_max3A_442[15] : f32 from vector<16xf32>
        %max3A_444 = arith.maximumf %max3A_439, %reduce_max3A_443 : f32
        %reduce_max3A_445 = arith.constant true
        %reduce_max3A_446 = vector.broadcast %reduce_max3A_445 : i1 to vector<16xi1>
        %reduce_max3A_447 = tpu.scan <max>, %select_n3A_430 masked %reduce_max3A_446 : vector<16xf32>, vector<16xi1> -> vector<16xf32>
        %reduce_max3A_448 = vector.extract %reduce_max3A_447[15] : f32 from vector<16xf32>
        %max3A_449 = arith.maximumf %max3A_444, %reduce_max3A_448 : f32
        %eq3A_450 = vector.broadcast %max3A_449 : f32 to vector<16xf32>
        %eq3A_451 = arith.cmpf oeq, %select_n3A_406, %eq3A_450 : vector<16xf32>
        %add3A_452 = arith.constant 0 : i32
        %add3A_453 = vector.broadcast %add3A_452 : i32 to vector<16xi32>
        %add3A_454 = arith.addi %iota3A, %add3A_453 : vector<16xi32>
        %jit3A_455 = arith.constant 64 : i32
        %broadcast_in_dim3A_456 = vector.broadcast %jit3A_455 : i32 to vector<16xi32>
        %select_n3A_457 = arith.select %eq3A_451, %add3A_454, %broadcast_in_dim3A_456 : vector<16xi1>, vector<16xi32>
        %reduce_min3A_458 = arith.constant true
        %reduce_min3A_459 = vector.broadcast %reduce_min3A_458 : i1 to vector<16xi1>
        %reduce_min3A_460 = arith.constant -2147483648 : i32
        %reduce_min3A_461 = vector.broadcast %reduce_min3A_460 : i32 to vector<16xi32>
        %reduce_min3A_462 = arith.xori %select_n3A_457, %reduce_min3A_461 : vector<16xi32>
        %reduce_min3A_463 = tpu.scan <min>, %reduce_min3A_462 masked %reduce_min3A_459 : vector<16xi32>, vector<16xi1> -> vector<16xi32>
        %reduce_min3A_464 = arith.xori %reduce_min3A_463, %reduce_min3A_461 : vector<16xi32>
        %reduce_min3A_465 = vector.extract %reduce_min3A_464[15] : i32 from vector<16xi32>
        %min3A_466 = arith.constant 64 : i32
        %min3A_467 = arith.minsi %min3A_466, %reduce_min3A_465 : i32
        %eq3A_468 = vector.broadcast %max3A_449 : f32 to vector<16xf32>
        %eq3A_469 = arith.cmpf oeq, %select_n3A_414, %eq3A_468 : vector<16xf32>
        %add3A_470 = arith.constant 16 : i32
        %add3A_471 = vector.broadcast %add3A_470 : i32 to vector<16xi32>
        %add3A_472 = arith.addi %iota3A, %add3A_471 : vector<16xi32>
        %jit3A_473 = arith.constant 64 : i32
        %broadcast_in_dim3A_474 = vector.broadcast %jit3A_473 : i32 to vector<16xi32>
        %select_n3A_475 = arith.select %eq3A_469, %add3A_472, %broadcast_in_dim3A_474 : vector<16xi1>, vector<16xi32>
        %reduce_min3A_476 = arith.constant true
        %reduce_min3A_477 = vector.broadcast %reduce_min3A_476 : i1 to vector<16xi1>
        %reduce_min3A_478 = arith.constant -2147483648 : i32
        %reduce_min3A_479 = vector.broadcast %reduce_min3A_478 : i32 to vector<16xi32>
        %reduce_min3A_480 = arith.xori %select_n3A_475, %reduce_min3A_479 : vector<16xi32>
        %reduce_min3A_481 = tpu.scan <min>, %reduce_min3A_480 masked %reduce_min3A_477 : vector<16xi32>, vector<16xi1> -> vector<16xi32>
        %reduce_min3A_482 = arith.xori %reduce_min3A_481, %reduce_min3A_479 : vector<16xi32>
        %reduce_min3A_483 = vector.extract %reduce_min3A_482[15] : i32 from vector<16xi32>
        %min3A_484 = arith.minsi %min3A_467, %reduce_min3A_483 : i32
        %eq3A_485 = vector.broadcast %max3A_449 : f32 to vector<16xf32>
        %eq3A_486 = arith.cmpf oeq, %select_n3A_422, %eq3A_485 : vector<16xf32>
        %add3A_487 = arith.constant 32 : i32
        %add3A_488 = vector.broadcast %add3A_487 : i32 to vector<16xi32>
        %add3A_489 = arith.addi %iota3A, %add3A_488 : vector<16xi32>
        %jit3A_490 = arith.constant 64 : i32
        %broadcast_in_dim3A_491 = vector.broadcast %jit3A_490 : i32 to vector<16xi32>
        %select_n3A_492 = arith.select %eq3A_486, %add3A_489, %broadcast_in_dim3A_491 : vector<16xi1>, vector<16xi32>
        %reduce_min3A_493 = arith.constant true
        %reduce_min3A_494 = vector.broadcast %reduce_min3A_493 : i1 to vector<16xi1>
        %reduce_min3A_495 = arith.constant -2147483648 : i32
        %reduce_min3A_496 = vector.broadcast %reduce_min3A_495 : i32 to vector<16xi32>
        %reduce_min3A_497 = arith.xori %select_n3A_492, %reduce_min3A_496 : vector<16xi32>
        %reduce_min3A_498 = tpu.scan <min>, %reduce_min3A_497 masked %reduce_min3A_494 : vector<16xi32>, vector<16xi1> -> vector<16xi32>
        %reduce_min3A_499 = arith.xori %reduce_min3A_498, %reduce_min3A_496 : vector<16xi32>
        %reduce_min3A_500 = vector.extract %reduce_min3A_499[15] : i32 from vector<16xi32>
        %min3A_501 = arith.minsi %min3A_484, %reduce_min3A_500 : i32
        %eq3A_502 = vector.broadcast %max3A_449 : f32 to vector<16xf32>
        %eq3A_503 = arith.cmpf oeq, %select_n3A_430, %eq3A_502 : vector<16xf32>
        %add3A_504 = arith.constant 48 : i32
        %add3A_505 = vector.broadcast %add3A_504 : i32 to vector<16xi32>
        %add3A_506 = arith.addi %iota3A, %add3A_505 : vector<16xi32>
        %jit3A_507 = arith.constant 64 : i32
        %broadcast_in_dim3A_508 = vector.broadcast %jit3A_507 : i32 to vector<16xi32>
        %select_n3A_509 = arith.select %eq3A_503, %add3A_506, %broadcast_in_dim3A_508 : vector<16xi1>, vector<16xi32>
        %reduce_min3A_510 = arith.constant true
        %reduce_min3A_511 = vector.broadcast %reduce_min3A_510 : i1 to vector<16xi1>
        %reduce_min3A_512 = arith.constant -2147483648 : i32
        %reduce_min3A_513 = vector.broadcast %reduce_min3A_512 : i32 to vector<16xi32>
        %reduce_min3A_514 = arith.xori %select_n3A_509, %reduce_min3A_513 : vector<16xi32>
        %reduce_min3A_515 = tpu.scan <min>, %reduce_min3A_514 masked %reduce_min3A_511 : vector<16xi32>, vector<16xi1> -> vector<16xi32>
        %reduce_min3A_516 = arith.xori %reduce_min3A_515, %reduce_min3A_513 : vector<16xi32>
        %reduce_min3A_517 = vector.extract %reduce_min3A_516[15] : i32 from vector<16xi32>
        %min3A_518 = arith.minsi %min3A_501, %reduce_min3A_517 : i32
        %sub3A_519 = arith.subf %max3A_449, %max3A_331 : f32
        %broadcast_in_dim3A_520 = vector.broadcast %sub3A_519 : f32 to vector<16xf32>
        %exp3A = math.exp %broadcast_in_dim3A_520 : vector<16xf32>
        %add3A_521 = arith.constant 1.000000e+00 : f32
        %add3A_522 = vector.broadcast %add3A_521 : f32 to vector<16xf32>
        %add3A_523 = arith.addf %add3A_522, %exp3A : vector<16xf32>
        %div3A = arith.constant 1.000000e+00 : f32
        %div3A_524 = vector.broadcast %div3A : f32 to vector<16xf32>
        %div3A_525 = arith.divf %div3A_524, %add3A_523 : vector<16xf32>
        %add3A_526 = arith.constant 1.000000e+00 : f32
        %add3A_527 = vector.broadcast %add3A_526 : f32 to vector<16xf32>
        %add3A_528 = arith.addf %add3A_527, %exp3A : vector<16xf32>
        %div3A_529 = arith.divf %exp3A, %add3A_528 : vector<16xf32>
        %add3A_530 = arith.constant 0 : i32
        %add3A_531 = vector.broadcast %add3A_530 : i32 to vector<16xi32>
        %add3A_532 = arith.addi %iota3A, %add3A_531 : vector<16xi32>
        %eq3A_533 = vector.broadcast %min3A_398 : i32 to vector<16xi32>
        %eq3A_534 = arith.cmpi eq, %add3A_532, %eq3A_533 : vector<16xi32>
        %eq3A_535 = vector.broadcast %min3A_518 : i32 to vector<16xi32>
        %eq3A_536 = arith.cmpi eq, %add3A_532, %eq3A_535 : vector<16xi32>
        %select_n3A_537 = arith.select %eq3A_534, %div3A_525, %broadcast_in_dim3A_4 : vector<16xi1>, vector<16xf32>
        %select_n3A_538 = arith.select %eq3A_536, %div3A_529, %broadcast_in_dim3A_4 : vector<16xi1>, vector<16xf32>
        %add3A_539 = arith.addf %select_n3A_537, %select_n3A_538 : vector<16xf32>
        %swap3A_540 = arith.index_cast %scan3A_298 : i32 to index
        %swap3A_541 = arith.constant 0 : index
        %swap3A_542 = tpu.vector_load %arg7[%swap3A_540, %swap3A_541] {strides = array<i32>} : memref<32x64xf32, #tpu.memory_space<vmem>>, vector<16xf32>,
        tpu.vector_store %arg7[%swap3A_540, %swap3A_541], %add3A_539 {strides = array<i32>} : memref<32x64xf32, #tpu.memory_space<vmem>>, vector<16xf32>,
        %jit3A_543 = arith.constant 1.000000e+00 : f32
        %jit3A_544 = arith.constant 0.000000e+00 : f32
        %broadcast_in_dim3A_545 = vector.broadcast %jit3A_543 : f32 to vector<16xf32>
        %broadcast_in_dim3A_546 = vector.broadcast %jit3A_544 : f32 to vector<16xf32>
        %select_n3A_547 = arith.select %eq3A_534, %broadcast_in_dim3A_545, %broadcast_in_dim3A_546 : vector<16xi1>, vector<16xf32>
        %add3A_548 = arith.addf %scan3A_299, %select_n3A_547 : vector<16xf32>
        %jit3A_549 = arith.constant 1.000000e+00 : f32
        %jit3A_550 = arith.constant 0.000000e+00 : f32
        %broadcast_in_dim3A_551 = vector.broadcast %jit3A_549 : f32 to vector<16xf32>
        %broadcast_in_dim3A_552 = vector.broadcast %jit3A_550 : f32 to vector<16xf32>
        %select_n3A_553 = arith.select %eq3A_536, %broadcast_in_dim3A_551, %broadcast_in_dim3A_552 : vector<16xi1>, vector<16xf32>
        %add3A_554 = arith.addf %add3A_548, %select_n3A_553 : vector<16xf32>
        %add3A_555 = arith.constant 16 : i32
        %add3A_556 = vector.broadcast %add3A_555 : i32 to vector<16xi32>
        %add3A_557 = arith.addi %iota3A, %add3A_556 : vector<16xi32>
        %eq3A_558 = vector.broadcast %min3A_398 : i32 to vector<16xi32>
        %eq3A_559 = arith.cmpi eq, %add3A_557, %eq3A_558 : vector<16xi32>
        %eq3A_560 = vector.broadcast %min3A_518 : i32 to vector<16xi32>
        %eq3A_561 = arith.cmpi eq, %add3A_557, %eq3A_560 : vector<16xi32>
        %select_n3A_562 = arith.select %eq3A_559, %div3A_525, %broadcast_in_dim3A_4 : vector<16xi1>, vector<16xf32>
        %select_n3A_563 = arith.select %eq3A_561, %div3A_529, %broadcast_in_dim3A_4 : vector<16xi1>, vector<16xf32>
        %add3A_564 = arith.addf %select_n3A_562, %select_n3A_563 : vector<16xf32>
        %swap3A_565 = arith.index_cast %scan3A_298 : i32 to index
        %swap3A_566 = arith.constant 16 : index
        %swap3A_567 = tpu.vector_load %arg7[%swap3A_565, %swap3A_566] {strides = array<i32>} : memref<32x64xf32, #tpu.memory_space<vmem>>, vector<16xf32>,
        tpu.vector_store %arg7[%swap3A_565, %swap3A_566], %add3A_564 {strides = array<i32>} : memref<32x64xf32, #tpu.memory_space<vmem>>, vector<16xf32>,
        %jit3A_568 = arith.constant 1.000000e+00 : f32
        %jit3A_569 = arith.constant 0.000000e+00 : f32
        %broadcast_in_dim3A_570 = vector.broadcast %jit3A_568 : f32 to vector<16xf32>
        %broadcast_in_dim3A_571 = vector.broadcast %jit3A_569 : f32 to vector<16xf32>
        %select_n3A_572 = arith.select %eq3A_559, %broadcast_in_dim3A_570, %broadcast_in_dim3A_571 : vector<16xi1>, vector<16xf32>
        %add3A_573 = arith.addf %scan3A_300, %select_n3A_572 : vector<16xf32>
        %jit3A_574 = arith.constant 1.000000e+00 : f32
        %jit3A_575 = arith.constant 0.000000e+00 : f32
        %broadcast_in_dim3A_576 = vector.broadcast %jit3A_574 : f32 to vector<16xf32>
        %broadcast_in_dim3A_577 = vector.broadcast %jit3A_575 : f32 to vector<16xf32>
        %select_n3A_578 = arith.select %eq3A_561, %broadcast_in_dim3A_576, %broadcast_in_dim3A_577 : vector<16xi1>, vector<16xf32>
        %add3A_579 = arith.addf %add3A_573, %select_n3A_578 : vector<16xf32>
        %add3A_580 = arith.constant 32 : i32
        %add3A_581 = vector.broadcast %add3A_580 : i32 to vector<16xi32>
        %add3A_582 = arith.addi %iota3A, %add3A_581 : vector<16xi32>
        %eq3A_583 = vector.broadcast %min3A_398 : i32 to vector<16xi32>
        %eq3A_584 = arith.cmpi eq, %add3A_582, %eq3A_583 : vector<16xi32>
        %eq3A_585 = vector.broadcast %min3A_518 : i32 to vector<16xi32>
        %eq3A_586 = arith.cmpi eq, %add3A_582, %eq3A_585 : vector<16xi32>
        %select_n3A_587 = arith.select %eq3A_584, %div3A_525, %broadcast_in_dim3A_4 : vector<16xi1>, vector<16xf32>
        %select_n3A_588 = arith.select %eq3A_586, %div3A_529, %broadcast_in_dim3A_4 : vector<16xi1>, vector<16xf32>
        %add3A_589 = arith.addf %select_n3A_587, %select_n3A_588 : vector<16xf32>
        %swap3A_590 = arith.index_cast %scan3A_298 : i32 to index
        %swap3A_591 = arith.constant 32 : index
        %swap3A_592 = tpu.vector_load %arg7[%swap3A_590, %swap3A_591] {strides = array<i32>} : memref<32x64xf32, #tpu.memory_space<vmem>>, vector<16xf32>,
        tpu.vector_store %arg7[%swap3A_590, %swap3A_591], %add3A_589 {strides = array<i32>} : memref<32x64xf32, #tpu.memory_space<vmem>>, vector<16xf32>,
        %jit3A_593 = arith.constant 1.000000e+00 : f32
        %jit3A_594 = arith.constant 0.000000e+00 : f32
        %broadcast_in_dim3A_595 = vector.broadcast %jit3A_593 : f32 to vector<16xf32>
        %broadcast_in_dim3A_596 = vector.broadcast %jit3A_594 : f32 to vector<16xf32>
        %select_n3A_597 = arith.select %eq3A_584, %broadcast_in_dim3A_595, %broadcast_in_dim3A_596 : vector<16xi1>, vector<16xf32>
        %add3A_598 = arith.addf %scan3A_301, %select_n3A_597 : vector<16xf32>
        %jit3A_599 = arith.constant 1.000000e+00 : f32
        %jit3A_600 = arith.constant 0.000000e+00 : f32
        %broadcast_in_dim3A_601 = vector.broadcast %jit3A_599 : f32 to vector<16xf32>
        %broadcast_in_dim3A_602 = vector.broadcast %jit3A_600 : f32 to vector<16xf32>
        %select_n3A_603 = arith.select %eq3A_586, %broadcast_in_dim3A_601, %broadcast_in_dim3A_602 : vector<16xi1>, vector<16xf32>
        %add3A_604 = arith.addf %add3A_598, %select_n3A_603 : vector<16xf32>
        %add3A_605 = arith.constant 48 : i32
        %add3A_606 = vector.broadcast %add3A_605 : i32 to vector<16xi32>
        %add3A_607 = arith.addi %iota3A, %add3A_606 : vector<16xi32>
        %eq3A_608 = vector.broadcast %min3A_398 : i32 to vector<16xi32>
        %eq3A_609 = arith.cmpi eq, %add3A_607, %eq3A_608 : vector<16xi32>
        %eq3A_610 = vector.broadcast %min3A_518 : i32 to vector<16xi32>
        %eq3A_611 = arith.cmpi eq, %add3A_607, %eq3A_610 : vector<16xi32>
        %select_n3A_612 = arith.select %eq3A_609, %div3A_525, %broadcast_in_dim3A_4 : vector<16xi1>, vector<16xf32>
        %select_n3A_613 = arith.select %eq3A_611, %div3A_529, %broadcast_in_dim3A_4 : vector<16xi1>, vector<16xf32>
        %add3A_614 = arith.addf %select_n3A_612, %select_n3A_613 : vector<16xf32>
        %swap3A_615 = arith.index_cast %scan3A_298 : i32 to index
        %swap3A_616 = arith.constant 48 : index
        %swap3A_617 = tpu.vector_load %arg7[%swap3A_615, %swap3A_616] {strides = array<i32>} : memref<32x64xf32, #tpu.memory_space<vmem>>, vector<16xf32>,
        tpu.vector_store %arg7[%swap3A_615, %swap3A_616], %add3A_614 {strides = array<i32>} : memref<32x64xf32, #tpu.memory_space<vmem>>, vector<16xf32>,
        %jit3A_618 = arith.constant 1.000000e+00 : f32
        %jit3A_619 = arith.constant 0.000000e+00 : f32
        %broadcast_in_dim3A_620 = vector.broadcast %jit3A_618 : f32 to vector<16xf32>
        %broadcast_in_dim3A_621 = vector.broadcast %jit3A_619 : f32 to vector<16xf32>
        %select_n3A_622 = arith.select %eq3A_609, %broadcast_in_dim3A_620, %broadcast_in_dim3A_621 : vector<16xi1>, vector<16xf32>
        %add3A_623 = arith.addf %scan3A_302, %select_n3A_622 : vector<16xf32>
        %jit3A_624 = arith.constant 1.000000e+00 : f32
        %jit3A_625 = arith.constant 0.000000e+00 : f32
        %broadcast_in_dim3A_626 = vector.broadcast %jit3A_624 : f32 to vector<16xf32>
        %broadcast_in_dim3A_627 = vector.broadcast %jit3A_625 : f32 to vector<16xf32>
        %select_n3A_628 = arith.select %eq3A_611, %broadcast_in_dim3A_626, %broadcast_in_dim3A_627 : vector<16xi1>, vector<16xf32>
        %add3A_629 = arith.addf %add3A_623, %select_n3A_628 : vector<16xf32>
        scf.yield %add3A_554, %add3A_579, %add3A_604, %add3A_629 : vector<16xf32>, vector<16xf32>, vector<16xf32>, vector<16xf32>
      }
      %scan3A_9 = arith.constant 32 : i32
      "tpu.region"() ({
        %run_scoped3A = tpu.sem_alloc : memref<!tpu.dma_semaphore, #tpu.memory_space<semaphore_mem>>
        tpu.enqueue_dma source(%arg7 : memref<32x64xf32, #tpu.memory_space<vmem>>) target(%arg3 : memref<32x64xf32, #tpu.memory_space<hbm>>) target_semaphore(%run_scoped3A : memref<!tpu.dma_semaphore, #tpu.memory_space<semaphore_mem>>)
        tpu.wait_dma2 semaphore(%run_scoped3A : memref<!tpu.dma_semaphore, #tpu.memory_space<semaphore_mem>>) src(%arg7 : memref<32x64xf32, #tpu.memory_space<vmem>>) dst(%arg3 : memref<32x64xf32, #tpu.memory_space<hbm>>)
        tpu.yield
      }) : () -> ()
      %mul3A = arith.constant 1.562500e-02 : f32
      %mul3A_10 = vector.broadcast %mul3A : f32 to vector<16xf32>
      %mul3A_11 = arith.mulf %scan3A_8#0, %mul3A_10 : vector<16xf32>
      %mul3A_12 = arith.mulf %mul3A_11, %mul3A_11 : vector<16xf32>
      %reduce_sum3A = arith.constant true
      %reduce_sum3A_13 = vector.broadcast %reduce_sum3A : i1 to vector<16xi1>
      %reduce_sum3A_14 = tpu.scan <sum>, %mul3A_12 masked %reduce_sum3A_13 : vector<16xf32>, vector<16xi1> -> vector<16xf32>
      %reduce_sum3A_15 = vector.extract %reduce_sum3A_14[15] : f32 from vector<16xf32>
      %add3A = arith.constant 0.000000e+00 : f32
      %add3A_16 = arith.addf %add3A, %reduce_sum3A_15 : f32
      %mul3A_17 = arith.constant 1.562500e-02 : f32
      %mul3A_18 = vector.broadcast %mul3A_17 : f32 to vector<16xf32>
      %mul3A_19 = arith.mulf %scan3A_8#1, %mul3A_18 : vector<16xf32>
      %mul3A_20 = arith.mulf %mul3A_19, %mul3A_19 : vector<16xf32>
      %reduce_sum3A_21 = arith.constant true
      %reduce_sum3A_22 = vector.broadcast %reduce_sum3A_21 : i1 to vector<16xi1>
      %reduce_sum3A_23 = tpu.scan <sum>, %mul3A_20 masked %reduce_sum3A_22 : vector<16xf32>, vector<16xi1> -> vector<16xf32>
      %reduce_sum3A_24 = vector.extract %reduce_sum3A_23[15] : f32 from vector<16xf32>
      %add3A_25 = arith.addf %add3A_16, %reduce_sum3A_24 : f32
      %mul3A_26 = arith.constant 1.562500e-02 : f32
      %mul3A_27 = vector.broadcast %mul3A_26 : f32 to vector<16xf32>
      %mul3A_28 = arith.mulf %scan3A_8#2, %mul3A_27 : vector<16xf32>
      %mul3A_29 = arith.mulf %mul3A_28, %mul3A_28 : vector<16xf32>
      %reduce_sum3A_30 = arith.constant true
      %reduce_sum3A_31 = vector.broadcast %reduce_sum3A_30 : i1 to vector<16xi1>
      %reduce_sum3A_32 = tpu.scan <sum>, %mul3A_29 masked %reduce_sum3A_31 : vector<16xf32>, vector<16xi1> -> vector<16xf32>
      %reduce_sum3A_33 = vector.extract %reduce_sum3A_32[15] : f32 from vector<16xf32>
      %add3A_34 = arith.addf %add3A_25, %reduce_sum3A_33 : f32
      %mul3A_35 = arith.constant 1.562500e-02 : f32
      %mul3A_36 = vector.broadcast %mul3A_35 : f32 to vector<16xf32>
      %mul3A_37 = arith.mulf %scan3A_8#3, %mul3A_36 : vector<16xf32>
      %mul3A_38 = arith.mulf %mul3A_37, %mul3A_37 : vector<16xf32>
      %reduce_sum3A_39 = arith.constant true
      %reduce_sum3A_40 = vector.broadcast %reduce_sum3A_39 : i1 to vector<16xi1>
      %reduce_sum3A_41 = tpu.scan <sum>, %mul3A_38 masked %reduce_sum3A_40 : vector<16xf32>, vector<16xi1> -> vector<16xf32>
      %reduce_sum3A_42 = vector.extract %reduce_sum3A_41[15] : f32 from vector<16xf32>
      %add3A_43 = arith.addf %add3A_34, %reduce_sum3A_42 : f32
      %mul3A_44 = arith.constant 6.400000e+01 : f32
      %mul3A_45 = arith.mulf %mul3A_44, %add3A_43 : f32
      %mul3A_46 = arith.constant 0.00999999977 : f32
      %mul3A_47 = arith.mulf %mul3A_46, %mul3A_45 : f32
      %eq3A_48 = arith.constant 0 : i32
      %eq3A_49 = vector.broadcast %eq3A_48 : i32 to vector<16xi32>
      %eq3A_50 = arith.cmpi eq, %iota3A, %eq3A_49 : vector<16xi32>
      %broadcast_in_dim3A_51 = vector.broadcast %mul3A_47 : f32 to vector<16xf32>
      %select_n3A = arith.select %eq3A_50, %broadcast_in_dim3A_51, %broadcast_in_dim3A_4 : vector<16xi1>, vector<16xf32>
      %swap3A = arith.constant 0 : index
      %swap3A_52 = tpu.vector_load %arg9[%swap3A] {strides = array<i32>} : memref<16xf32, #tpu.memory_space<vmem>>, vector<16xf32>,
      tpu.vector_store %arg9[%swap3A], %select_n3A {strides = array<i32>} : memref<16xf32, #tpu.memory_space<vmem>>, vector<16xf32>,
      "tpu.region"() ({
        %run_scoped3A = tpu.sem_alloc : memref<!tpu.dma_semaphore, #tpu.memory_space<semaphore_mem>>
        tpu.enqueue_dma source(%arg9 : memref<16xf32, #tpu.memory_space<vmem>>) target(%arg5 : memref<16xf32, #tpu.memory_space<hbm>>) target_semaphore(%run_scoped3A : memref<!tpu.dma_semaphore, #tpu.memory_space<semaphore_mem>>)
        tpu.wait_dma2 semaphore(%run_scoped3A : memref<!tpu.dma_semaphore, #tpu.memory_space<semaphore_mem>>) src(%arg9 : memref<16xf32, #tpu.memory_space<vmem>>) dst(%arg5 : memref<16xf32, #tpu.memory_space<hbm>>)
        tpu.yield
      }) : () -> ()
      %gt3A = arith.constant 0.000000e+00 : f32
      %gt3A_53 = vector.broadcast %gt3A : f32 to vector<16xf32>
      %gt3A_54 = arith.cmpf ogt, %scan3A_8#0, %gt3A_53 : vector<16xf32>
      %gt3A_55 = arith.constant 0.000000e+00 : f32
      %gt3A_56 = vector.broadcast %gt3A_55 : f32 to vector<16xf32>
      %gt3A_57 = arith.cmpf ogt, %scan3A_8#1, %gt3A_56 : vector<16xf32>
      %gt3A_58 = arith.constant 0.000000e+00 : f32
      %gt3A_59 = vector.broadcast %gt3A_58 : f32 to vector<16xf32>
      %gt3A_60 = arith.cmpf ogt, %scan3A_8#2, %gt3A_59 : vector<16xf32>
      %gt3A_61 = arith.constant 0.000000e+00 : f32
      %gt3A_62 = vector.broadcast %gt3A_61 : f32 to vector<16xf32>
      %gt3A_63 = arith.cmpf ogt, %scan3A_8#3, %gt3A_62 : vector<16xf32>
      %jit3A = arith.constant 1.000000e+00 : f32
      %jit3A_64 = arith.constant 0.000000e+00 : f32
      %broadcast_in_dim3A_65 = vector.broadcast %jit3A : f32 to vector<16xf32>
      %broadcast_in_dim3A_66 = vector.broadcast %jit3A_64 : f32 to vector<16xf32>
      %select_n3A_67 = arith.select %gt3A_54, %broadcast_in_dim3A_65, %broadcast_in_dim3A_66 : vector<16xi1>, vector<16xf32>
      %jit3A_68 = arith.constant 1.000000e+00 : f32
      %jit3A_69 = arith.constant 0.000000e+00 : f32
      %broadcast_in_dim3A_70 = vector.broadcast %jit3A_68 : f32 to vector<16xf32>
      %broadcast_in_dim3A_71 = vector.broadcast %jit3A_69 : f32 to vector<16xf32>
      %select_n3A_72 = arith.select %gt3A_57, %broadcast_in_dim3A_70, %broadcast_in_dim3A_71 : vector<16xi1>, vector<16xf32>
      %jit3A_73 = arith.constant 1.000000e+00 : f32
      %jit3A_74 = arith.constant 0.000000e+00 : f32
      %broadcast_in_dim3A_75 = vector.broadcast %jit3A_73 : f32 to vector<16xf32>
      %broadcast_in_dim3A_76 = vector.broadcast %jit3A_74 : f32 to vector<16xf32>
      %select_n3A_77 = arith.select %gt3A_60, %broadcast_in_dim3A_75, %broadcast_in_dim3A_76 : vector<16xi1>, vector<16xf32>
      %jit3A_78 = arith.constant 1.000000e+00 : f32
      %jit3A_79 = arith.constant 0.000000e+00 : f32
      %broadcast_in_dim3A_80 = vector.broadcast %jit3A_78 : f32 to vector<16xf32>
      %broadcast_in_dim3A_81 = vector.broadcast %jit3A_79 : f32 to vector<16xf32>
      %select_n3A_82 = arith.select %gt3A_63, %broadcast_in_dim3A_80, %broadcast_in_dim3A_81 : vector<16xi1>, vector<16xf32>
      %reduce_sum3A_83 = arith.constant true
      %reduce_sum3A_84 = vector.broadcast %reduce_sum3A_83 : i1 to vector<16xi1>
      %reduce_sum3A_85 = tpu.scan <sum>, %select_n3A_67 masked %reduce_sum3A_84 : vector<16xf32>, vector<16xi1> -> vector<16xf32>
      %reduce_sum3A_86 = vector.extract %reduce_sum3A_85[15] : f32 from vector<16xf32>
      %reduce_sum3A_87 = arith.constant true
      %reduce_sum3A_88 = vector.broadcast %reduce_sum3A_87 : i1 to vector<16xi1>
      %reduce_sum3A_89 = tpu.scan <sum>, %select_n3A_72 masked %reduce_sum3A_88 : vector<16xf32>, vector<16xi1> -> vector<16xf32>
      %reduce_sum3A_90 = vector.extract %reduce_sum3A_89[15] : f32 from vector<16xf32>
      %reduce_sum3A_91 = arith.constant true
      %reduce_sum3A_92 = vector.broadcast %reduce_sum3A_91 : i1 to vector<16xi1>
      %reduce_sum3A_93 = tpu.scan <sum>, %select_n3A_77 masked %reduce_sum3A_92 : vector<16xf32>, vector<16xi1> -> vector<16xf32>
      %reduce_sum3A_94 = vector.extract %reduce_sum3A_93[15] : f32 from vector<16xf32>
      %reduce_sum3A_95 = arith.constant true
      %reduce_sum3A_96 = vector.broadcast %reduce_sum3A_95 : i1 to vector<16xi1>
      %reduce_sum3A_97 = tpu.scan <sum>, %select_n3A_82 masked %reduce_sum3A_96 : vector<16xf32>, vector<16xi1> -> vector<16xf32>
      %reduce_sum3A_98 = vector.extract %reduce_sum3A_97[15] : f32 from vector<16xf32>
      %broadcast_in_dim3A_99 = arith.constant true
      %broadcast_in_dim3A_100 = vector.broadcast %broadcast_in_dim3A_99 : i1 to vector<16xi1>
      %masked_cumsum3A = tpu.scan <sum>, %select_n3A_67 masked %broadcast_in_dim3A_100 : vector<16xf32>, vector<16xi1> -> vector<16xf32>
      %sub3A = arith.subf %masked_cumsum3A, %select_n3A_67 : vector<16xf32>
      %add3A_101 = arith.constant 0.000000e+00 : f32
      %add3A_102 = vector.broadcast %add3A_101 : f32 to vector<16xf32>
      %add3A_103 = arith.addf %sub3A, %add3A_102 : vector<16xf32>
      %add3A_104 = arith.constant 0.000000e+00 : f32
      %add3A_105 = arith.addf %add3A_104, %reduce_sum3A_86 : f32
      %broadcast_in_dim3A_106 = arith.constant true
      %broadcast_in_dim3A_107 = vector.broadcast %broadcast_in_dim3A_106 : i1 to vector<16xi1>
      %masked_cumsum3A_108 = tpu.scan <sum>, %select_n3A_72 masked %broadcast_in_dim3A_107 : vector<16xf32>, vector<16xi1> -> vector<16xf32>
      %sub3A_109 = arith.subf %masked_cumsum3A_108, %select_n3A_72 : vector<16xf32>
      %add3A_110 = vector.broadcast %add3A_105 : f32 to vector<16xf32>
      %add3A_111 = arith.addf %sub3A_109, %add3A_110 : vector<16xf32>
      %add3A_112 = arith.addf %add3A_105, %reduce_sum3A_90 : f32
      %broadcast_in_dim3A_113 = arith.constant true
      %broadcast_in_dim3A_114 = vector.broadcast %broadcast_in_dim3A_113 : i1 to vector<16xi1>
      %masked_cumsum3A_115 = tpu.scan <sum>, %select_n3A_77 masked %broadcast_in_dim3A_114 : vector<16xf32>, vector<16xi1> -> vector<16xf32>
      %sub3A_116 = arith.subf %masked_cumsum3A_115, %select_n3A_77 : vector<16xf32>
      %add3A_117 = vector.broadcast %add3A_112 : f32 to vector<16xf32>
      %add3A_118 = arith.addf %sub3A_116, %add3A_117 : vector<16xf32>
      %add3A_119 = arith.addf %add3A_112, %reduce_sum3A_94 : f32
      %broadcast_in_dim3A_120 = arith.constant true
      %broadcast_in_dim3A_121 = vector.broadcast %broadcast_in_dim3A_120 : i1 to vector<16xi1>
      %masked_cumsum3A_122 = tpu.scan <sum>, %select_n3A_82 masked %broadcast_in_dim3A_121 : vector<16xf32>, vector<16xi1> -> vector<16xf32>
      %sub3A_123 = arith.subf %masked_cumsum3A_122, %select_n3A_82 : vector<16xf32>
      %add3A_124 = vector.broadcast %add3A_119 : f32 to vector<16xf32>
      %add3A_125 = arith.addf %sub3A_123, %add3A_124 : vector<16xf32>
      %add3A_126 = arith.addf %add3A_119, %reduce_sum3A_98 : f32
      %add3A_127 = arith.constant 0 : i32
      %add3A_128 = vector.broadcast %add3A_127 : i32 to vector<16xi32>
      %add3A_129 = arith.addi %iota3A, %add3A_128 : vector<16xi32>
      %convert_element_type3A_130 = arith.sitofp %add3A_129 : vector<16xi32> to vector<16xf32>
      %sub3A_131 = arith.constant 1.000000e+00 : f32
      %sub3A_132 = arith.subf %add3A_126, %sub3A_131 : f32
      %eq3A_133 = vector.broadcast %sub3A_132 : f32 to vector<16xf32>
      %eq3A_134 = arith.cmpf oeq, %add3A_103, %eq3A_133 : vector<16xf32>
      %and3A_135 = arith.andi %gt3A_54, %eq3A_134 : vector<16xi1>
      %jit3A_136 = arith.constant 0.000000e+00 : f32
      %broadcast_in_dim3A_137 = vector.broadcast %jit3A_136 : f32 to vector<16xf32>
      %select_n3A_138 = arith.select %and3A_135, %convert_element_type3A_130, %broadcast_in_dim3A_137 : vector<16xi1>, vector<16xf32>
      %reduce_sum3A_139 = arith.constant true
      %reduce_sum3A_140 = vector.broadcast %reduce_sum3A_139 : i1 to vector<16xi1>
      %reduce_sum3A_141 = tpu.scan <sum>, %select_n3A_138 masked %reduce_sum3A_140 : vector<16xf32>, vector<16xi1> -> vector<16xf32>
      %reduce_sum3A_142 = vector.extract %reduce_sum3A_141[15] : f32 from vector<16xf32>
      %add3A_143 = arith.constant 0.000000e+00 : f32
      %add3A_144 = arith.addf %add3A_143, %reduce_sum3A_142 : f32
      %add3A_145 = arith.constant 16 : i32
      %add3A_146 = vector.broadcast %add3A_145 : i32 to vector<16xi32>
      %add3A_147 = arith.addi %iota3A, %add3A_146 : vector<16xi32>
      %convert_element_type3A_148 = arith.sitofp %add3A_147 : vector<16xi32> to vector<16xf32>
      %sub3A_149 = arith.constant 1.000000e+00 : f32
      %sub3A_150 = arith.subf %add3A_126, %sub3A_149 : f32
      %eq3A_151 = vector.broadcast %sub3A_150 : f32 to vector<16xf32>
      %eq3A_152 = arith.cmpf oeq, %add3A_111, %eq3A_151 : vector<16xf32>
      %and3A_153 = arith.andi %gt3A_57, %eq3A_152 : vector<16xi1>
      %jit3A_154 = arith.constant 0.000000e+00 : f32
      %broadcast_in_dim3A_155 = vector.broadcast %jit3A_154 : f32 to vector<16xf32>
      %select_n3A_156 = arith.select %and3A_153, %convert_element_type3A_148, %broadcast_in_dim3A_155 : vector<16xi1>, vector<16xf32>
      %reduce_sum3A_157 = arith.constant true
      %reduce_sum3A_158 = vector.broadcast %reduce_sum3A_157 : i1 to vector<16xi1>
      %reduce_sum3A_159 = tpu.scan <sum>, %select_n3A_156 masked %reduce_sum3A_158 : vector<16xf32>, vector<16xi1> -> vector<16xf32>
      %reduce_sum3A_160 = vector.extract %reduce_sum3A_159[15] : f32 from vector<16xf32>
      %add3A_161 = arith.addf %add3A_144, %reduce_sum3A_160 : f32
      %add3A_162 = arith.constant 32 : i32
      %add3A_163 = vector.broadcast %add3A_162 : i32 to vector<16xi32>
      %add3A_164 = arith.addi %iota3A, %add3A_163 : vector<16xi32>
      %convert_element_type3A_165 = arith.sitofp %add3A_164 : vector<16xi32> to vector<16xf32>
      %sub3A_166 = arith.constant 1.000000e+00 : f32
      %sub3A_167 = arith.subf %add3A_126, %sub3A_166 : f32
      %eq3A_168 = vector.broadcast %sub3A_167 : f32 to vector<16xf32>
      %eq3A_169 = arith.cmpf oeq, %add3A_118, %eq3A_168 : vector<16xf32>
      %and3A_170 = arith.andi %gt3A_60, %eq3A_169 : vector<16xi1>
      %jit3A_171 = arith.constant 0.000000e+00 : f32
      %broadcast_in_dim3A_172 = vector.broadcast %jit3A_171 : f32 to vector<16xf32>
      %select_n3A_173 = arith.select %and3A_170, %convert_element_type3A_165, %broadcast_in_dim3A_172 : vector<16xi1>, vector<16xf32>
      %reduce_sum3A_174 = arith.constant true
      %reduce_sum3A_175 = vector.broadcast %reduce_sum3A_174 : i1 to vector<16xi1>
      %reduce_sum3A_176 = tpu.scan <sum>, %select_n3A_173 masked %reduce_sum3A_175 : vector<16xf32>, vector<16xi1> -> vector<16xf32>
      %reduce_sum3A_177 = vector.extract %reduce_sum3A_176[15] : f32 from vector<16xf32>
      %add3A_178 = arith.addf %add3A_161, %reduce_sum3A_177 : f32
      %add3A_179 = arith.constant 48 : i32
      %add3A_180 = vector.broadcast %add3A_179 : i32 to vector<16xi32>
      %add3A_181 = arith.addi %iota3A, %add3A_180 : vector<16xi32>
      %convert_element_type3A_182 = arith.sitofp %add3A_181 : vector<16xi32> to vector<16xf32>
      %sub3A_183 = arith.constant 1.000000e+00 : f32
      %sub3A_184 = arith.subf %add3A_126, %sub3A_183 : f32
      %eq3A_185 = vector.broadcast %sub3A_184 : f32 to vector<16xf32>
      %eq3A_186 = arith.cmpf oeq, %add3A_125, %eq3A_185 : vector<16xf32>
      %and3A_187 = arith.andi %gt3A_63, %eq3A_186 : vector<16xi1>
      %jit3A_188 = arith.constant 0.000000e+00 : f32
      %broadcast_in_dim3A_189 = vector.broadcast %jit3A_188 : f32 to vector<16xf32>
      %select_n3A_190 = arith.select %and3A_187, %convert_element_type3A_182, %broadcast_in_dim3A_189 : vector<16xi1>, vector<16xf32>
      %reduce_sum3A_191 = arith.constant true
      %reduce_sum3A_192 = vector.broadcast %reduce_sum3A_191 : i1 to vector<16xi1>
      %reduce_sum3A_193 = tpu.scan <sum>, %select_n3A_190 masked %reduce_sum3A_192 : vector<16xf32>, vector<16xi1> -> vector<16xf32>
      %reduce_sum3A_194 = vector.extract %reduce_sum3A_193[15] : f32 from vector<16xf32>
      %add3A_195 = arith.addf %add3A_178, %reduce_sum3A_194 : f32
      %convert_element_type3A_196 = arith.fptosi %add3A_103 : vector<16xf32> to vector<16xi32>
      %add3A_197 = arith.constant 0 : i32
      %add3A_198 = vector.broadcast %add3A_197 : i32 to vector<16xi32>
      %add3A_199 = arith.addi %iota3A, %add3A_198 : vector<16xi32>
      tpu.vector_store_idx %arg8[%convert_element_type3A_196], %add3A_199 masked %gt3A_54 : memref<128xi32, #tpu.memory_space<vmem>>[vector<16xi32>], vector<16xi32>, vector<16xi1>
      %convert_element_type3A_200 = arith.fptosi %add3A_111 : vector<16xf32> to vector<16xi32>
      %add3A_201 = arith.constant 16 : i32
      %add3A_202 = vector.broadcast %add3A_201 : i32 to vector<16xi32>
      %add3A_203 = arith.addi %iota3A, %add3A_202 : vector<16xi32>
      tpu.vector_store_idx %arg8[%convert_element_type3A_200], %add3A_203 masked %gt3A_57 : memref<128xi32, #tpu.memory_space<vmem>>[vector<16xi32>], vector<16xi32>, vector<16xi1>
      %convert_element_type3A_204 = arith.fptosi %add3A_118 : vector<16xf32> to vector<16xi32>
      %add3A_205 = arith.constant 32 : i32
      %add3A_206 = vector.broadcast %add3A_205 : i32 to vector<16xi32>
      %add3A_207 = arith.addi %iota3A, %add3A_206 : vector<16xi32>
      tpu.vector_store_idx %arg8[%convert_element_type3A_204], %add3A_207 masked %gt3A_60 : memref<128xi32, #tpu.memory_space<vmem>>[vector<16xi32>], vector<16xi32>, vector<16xi1>
      %convert_element_type3A_208 = arith.fptosi %add3A_125 : vector<16xf32> to vector<16xi32>
      %add3A_209 = arith.constant 48 : i32
      %add3A_210 = vector.broadcast %add3A_209 : i32 to vector<16xi32>
      %add3A_211 = arith.addi %iota3A, %add3A_210 : vector<16xi32>
      tpu.vector_store_idx %arg8[%convert_element_type3A_208], %add3A_211 masked %gt3A_63 : memref<128xi32, #tpu.memory_space<vmem>>[vector<16xi32>], vector<16xi32>, vector<16xi1>
      %convert_element_type3A_212 = arith.fptosi %add3A_126 : f32 to i32
      %convert_element_type3A_213 = arith.fptosi %add3A_195 : f32 to i32
      %add3A_214 = arith.constant 0 : i32
      %add3A_215 = vector.broadcast %add3A_214 : i32 to vector<16xi32>
      %add3A_216 = arith.addi %iota3A, %add3A_215 : vector<16xi32>
      %get3A = arith.constant 0 : index
      %get3A_217 = tpu.vector_load %arg8[%get3A] {strides = array<i32>} : memref<128xi32, #tpu.memory_space<vmem>>, vector<16xi32>,
      %lt3A = vector.broadcast %convert_element_type3A_212 : i32 to vector<16xi32>
      %lt3A_218 = arith.cmpi slt, %add3A_216, %lt3A : vector<16xi32>
      %broadcast_in_dim3A_219 = vector.broadcast %convert_element_type3A_213 : i32 to vector<16xi32>
      %select_n3A_220 = arith.select %lt3A_218, %get3A_217, %broadcast_in_dim3A_219 : vector<16xi1>, vector<16xi32>
      %swap3A_221 = arith.constant 0 : index
      %swap3A_222 = tpu.vector_load %arg8[%swap3A_221] {strides = array<i32>} : memref<128xi32, #tpu.memory_space<vmem>>, vector<16xi32>,
      tpu.vector_store %arg8[%swap3A_221], %select_n3A_220 {strides = array<i32>} : memref<128xi32, #tpu.memory_space<vmem>>, vector<16xi32>,
      %add3A_223 = arith.constant 16 : i32
      %add3A_224 = vector.broadcast %add3A_223 : i32 to vector<16xi32>
      %add3A_225 = arith.addi %iota3A, %add3A_224 : vector<16xi32>
      %get3A_226 = arith.constant 16 : index
      %get3A_227 = tpu.vector_load %arg8[%get3A_226] {strides = array<i32>} : memref<128xi32, #tpu.memory_space<vmem>>, vector<16xi32>,
      %lt3A_228 = vector.broadcast %convert_element_type3A_212 : i32 to vector<16xi32>
      %lt3A_229 = arith.cmpi slt, %add3A_225, %lt3A_228 : vector<16xi32>
      %broadcast_in_dim3A_230 = vector.broadcast %convert_element_type3A_213 : i32 to vector<16xi32>
      %select_n3A_231 = arith.select %lt3A_229, %get3A_227, %broadcast_in_dim3A_230 : vector<16xi1>, vector<16xi32>
      %swap3A_232 = arith.constant 16 : index
      %swap3A_233 = tpu.vector_load %arg8[%swap3A_232] {strides = array<i32>} : memref<128xi32, #tpu.memory_space<vmem>>, vector<16xi32>,
      tpu.vector_store %arg8[%swap3A_232], %select_n3A_231 {strides = array<i32>} : memref<128xi32, #tpu.memory_space<vmem>>, vector<16xi32>,
      %add3A_234 = arith.constant 32 : i32
      %add3A_235 = vector.broadcast %add3A_234 : i32 to vector<16xi32>
      %add3A_236 = arith.addi %iota3A, %add3A_235 : vector<16xi32>
      %get3A_237 = arith.constant 32 : index
      %get3A_238 = tpu.vector_load %arg8[%get3A_237] {strides = array<i32>} : memref<128xi32, #tpu.memory_space<vmem>>, vector<16xi32>,
      %lt3A_239 = vector.broadcast %convert_element_type3A_212 : i32 to vector<16xi32>
      %lt3A_240 = arith.cmpi slt, %add3A_236, %lt3A_239 : vector<16xi32>
      %broadcast_in_dim3A_241 = vector.broadcast %convert_element_type3A_213 : i32 to vector<16xi32>
      %select_n3A_242 = arith.select %lt3A_240, %get3A_238, %broadcast_in_dim3A_241 : vector<16xi1>, vector<16xi32>
      %swap3A_243 = arith.constant 32 : index
      %swap3A_244 = tpu.vector_load %arg8[%swap3A_243] {strides = array<i32>} : memref<128xi32, #tpu.memory_space<vmem>>, vector<16xi32>,
      tpu.vector_store %arg8[%swap3A_243], %select_n3A_242 {strides = array<i32>} : memref<128xi32, #tpu.memory_space<vmem>>, vector<16xi32>,
      %add3A_245 = arith.constant 48 : i32
      %add3A_246 = vector.broadcast %add3A_245 : i32 to vector<16xi32>
      %add3A_247 = arith.addi %iota3A, %add3A_246 : vector<16xi32>
      %get3A_248 = arith.constant 48 : index
      %get3A_249 = tpu.vector_load %arg8[%get3A_248] {strides = array<i32>} : memref<128xi32, #tpu.memory_space<vmem>>, vector<16xi32>,
      %lt3A_250 = vector.broadcast %convert_element_type3A_212 : i32 to vector<16xi32>
      %lt3A_251 = arith.cmpi slt, %add3A_247, %lt3A_250 : vector<16xi32>
      %broadcast_in_dim3A_252 = vector.broadcast %convert_element_type3A_213 : i32 to vector<16xi32>
      %select_n3A_253 = arith.select %lt3A_251, %get3A_249, %broadcast_in_dim3A_252 : vector<16xi1>, vector<16xi32>
      %swap3A_254 = arith.constant 48 : index
      %swap3A_255 = tpu.vector_load %arg8[%swap3A_254] {strides = array<i32>} : memref<128xi32, #tpu.memory_space<vmem>>, vector<16xi32>,
      tpu.vector_store %arg8[%swap3A_254], %select_n3A_253 {strides = array<i32>} : memref<128xi32, #tpu.memory_space<vmem>>, vector<16xi32>,
      %broadcast_in_dim3A_256 = arith.constant 0 : i32
      %broadcast_in_dim3A_257 = vector.broadcast %broadcast_in_dim3A_256 : i32 to vector<16xi32>
      %add3A_258 = arith.constant 64 : i32
      %add3A_259 = vector.broadcast %add3A_258 : i32 to vector<16xi32>
      %add3A_260 = arith.addi %iota3A, %add3A_259 : vector<16xi32>
      %eq3A_261 = arith.constant 64 : i32
      %eq3A_262 = vector.broadcast %eq3A_261 : i32 to vector<16xi32>
      %eq3A_263 = arith.cmpi eq, %add3A_260, %eq3A_262 : vector<16xi32>
      %broadcast_in_dim3A_264 = vector.broadcast %convert_element_type3A_212 : i32 to vector<16xi32>
      %select_n3A_265 = arith.select %eq3A_263, %broadcast_in_dim3A_264, %broadcast_in_dim3A_257 : vector<16xi1>, vector<16xi32>
      %swap3A_266 = arith.constant 64 : index
      %swap3A_267 = tpu.vector_load %arg8[%swap3A_266] {strides = array<i32>} : memref<128xi32, #tpu.memory_space<vmem>>, vector<16xi32>,
      tpu.vector_store %arg8[%swap3A_266], %select_n3A_265 {strides = array<i32>} : memref<128xi32, #tpu.memory_space<vmem>>, vector<16xi32>,
      %add3A_268 = arith.constant 80 : i32
      %add3A_269 = vector.broadcast %add3A_268 : i32 to vector<16xi32>
      %add3A_270 = arith.addi %iota3A, %add3A_269 : vector<16xi32>
      %eq3A_271 = arith.constant 64 : i32
      %eq3A_272 = vector.broadcast %eq3A_271 : i32 to vector<16xi32>
      %eq3A_273 = arith.cmpi eq, %add3A_270, %eq3A_272 : vector<16xi32>
      %broadcast_in_dim3A_274 = vector.broadcast %convert_element_type3A_212 : i32 to vector<16xi32>
      %select_n3A_275 = arith.select %eq3A_273, %broadcast_in_dim3A_274, %broadcast_in_dim3A_257 : vector<16xi1>, vector<16xi32>
      %swap3A_276 = arith.constant 80 : index
      %swap3A_277 = tpu.vector_load %arg8[%swap3A_276] {strides = array<i32>} : memref<128xi32, #tpu.memory_space<vmem>>, vector<16xi32>,
      tpu.vector_store %arg8[%swap3A_276], %select_n3A_275 {strides = array<i32>} : memref<128xi32, #tpu.memory_space<vmem>>, vector<16xi32>,
      %add3A_278 = arith.constant 96 : i32
      %add3A_279 = vector.broadcast %add3A_278 : i32 to vector<16xi32>
      %add3A_280 = arith.addi %iota3A, %add3A_279 : vector<16xi32>
      %eq3A_281 = arith.constant 64 : i32
      %eq3A_282 = vector.broadcast %eq3A_281 : i32 to vector<16xi32>
      %eq3A_283 = arith.cmpi eq, %add3A_280, %eq3A_282 : vector<16xi32>
      %broadcast_in_dim3A_284 = vector.broadcast %convert_element_type3A_212 : i32 to vector<16xi32>
      %select_n3A_285 = arith.select %eq3A_283, %broadcast_in_dim3A_284, %broadcast_in_dim3A_257 : vector<16xi1>, vector<16xi32>
      %swap3A_286 = arith.constant 96 : index
      %swap3A_287 = tpu.vector_load %arg8[%swap3A_286] {strides = array<i32>} : memref<128xi32, #tpu.memory_space<vmem>>, vector<16xi32>,
      tpu.vector_store %arg8[%swap3A_286], %select_n3A_285 {strides = array<i32>} : memref<128xi32, #tpu.memory_space<vmem>>, vector<16xi32>,
      %add3A_288 = arith.constant 112 : i32
      %add3A_289 = vector.broadcast %add3A_288 : i32 to vector<16xi32>
      %add3A_290 = arith.addi %iota3A, %add3A_289 : vector<16xi32>
      %eq3A_291 = arith.constant 64 : i32
      %eq3A_292 = vector.broadcast %eq3A_291 : i32 to vector<16xi32>
      %eq3A_293 = arith.cmpi eq, %add3A_290, %eq3A_292 : vector<16xi32>
      %broadcast_in_dim3A_294 = vector.broadcast %convert_element_type3A_212 : i32 to vector<16xi32>
      %select_n3A_295 = arith.select %eq3A_293, %broadcast_in_dim3A_294, %broadcast_in_dim3A_257 : vector<16xi1>, vector<16xi32>
      %swap3A_296 = arith.constant 112 : index
      %swap3A_297 = tpu.vector_load %arg8[%swap3A_296] {strides = array<i32>} : memref<128xi32, #tpu.memory_space<vmem>>, vector<16xi32>,
      tpu.vector_store %arg8[%swap3A_296], %select_n3A_295 {strides = array<i32>} : memref<128xi32, #tpu.memory_space<vmem>>, vector<16xi32>,
      "tpu.region"() ({
        %run_scoped3A = tpu.sem_alloc : memref<!tpu.dma_semaphore, #tpu.memory_space<semaphore_mem>>
        tpu.enqueue_dma source(%arg8 : memref<128xi32, #tpu.memory_space<vmem>>) target(%arg4 : memref<128xi32, #tpu.memory_space<hbm>>) target_semaphore(%run_scoped3A : memref<!tpu.dma_semaphore, #tpu.memory_space<semaphore_mem>>)
        tpu.wait_dma2 semaphore(%run_scoped3A : memref<!tpu.dma_semaphore, #tpu.memory_space<semaphore_mem>>) src(%arg8 : memref<128xi32, #tpu.memory_space<vmem>>) dst(%arg4 : memref<128xi32, #tpu.memory_space<hbm>>)
        tpu.yield
      }) : () -> ()
    } else {
    }
    return
  }
}

module attributes {stable_mosaic.version = 14 : i64} {
  func.func @_logits_kernel(%arg0: memref<32x1024xf32, #tpu.memory_space<vmem>>, %arg1: memref<64x1024xf32, #tpu.memory_space<vmem>>, %arg2: memref<32x64xf32, #tpu.memory_space<vmem>>) attributes {dimension_semantics = [], scalar_prefetch = 0 : i64, scratch_operands = 0 : i64, tpu.core_type = #tpu.core_type<tc>} {
    %get3A = arith.constant 0 : index
    %get3A_0 = arith.constant 0 : index
    %get3A_1 = vector.load %arg0[%get3A, %get3A_0] : memref<32x1024xf32, #tpu.memory_space<vmem>>, vector<32x1024xf32>
    %get3A_2 = arith.constant 0 : index
    %get3A_3 = arith.constant 0 : index
    %get3A_4 = vector.load %arg1[%get3A_2, %get3A_3] : memref<64x1024xf32, #tpu.memory_space<vmem>>, vector<64x1024xf32>
    %dot_general3A = arith.constant dense<0.000000e+00> : vector<32x64xf32>
    %dot_general3A_5 = tpu.matmul %get3A_1, %get3A_4, %dot_general3A {dimension_numbers = #tpu.dot_dimension_numbers<[1], [1], [0], [0], [0, 0, 1, 0], [], []>, transpose_lhs_hint = false} : vector<32x1024xf32>, vector<64x1024xf32>, vector<32x64xf32> -> vector<32x64xf32>
    %swap3A = arith.constant 0 : index
    %swap3A_6 = arith.constant 0 : index
    %swap3A_7 = vector.load %arg2[%swap3A, %swap3A_6] : memref<32x64xf32, #tpu.memory_space<vmem>>, vector<32x64xf32>
    tpu.vector_store %arg2[%swap3A, %swap3A_6], %dot_general3A_5 {strides = array<i32>} : memref<32x64xf32, #tpu.memory_space<vmem>>, vector<32x64xf32>,
    return
  }
}

module attributes {stable_mosaic.version = 14 : i64} {
  func.func @_ffn_kernel(%arg0: i32, %arg1: i32, %arg2: memref<128xi32, #tpu.memory_space<smem>>, %arg3: memref<32x1024xf32, #tpu.memory_space<vmem>>, %arg4: memref<32x64xf32, #tpu.memory_space<vmem>>, %arg5: memref<1x1024x1024xf32, #tpu.memory_space<vmem>>, %arg6: memref<1x1x4096xf32, #tpu.memory_space<vmem>>, %arg7: memref<1x1024x1024xf32, #tpu.memory_space<vmem>>, %arg8: memref<1x1x1024xf32, #tpu.memory_space<vmem>>, %arg9: memref<32x1024xf32, #tpu.memory_space<vmem>>) attributes {dimension_semantics = [#tpu.dimension_semantics<arbitrary>, #tpu.dimension_semantics<arbitrary>], iteration_bounds = array<i64: 64, 4>, scalar_prefetch = 1 : i64, scratch_operands = 0 : i64, tpu.core_type = #tpu.core_type<tc>, window_params = [{pipeline_mode = #tpu.pipeline_mode<synchronous>, transform_indices = @transform_0, window_bounds = array<i64: 32, 1024>}, {pipeline_mode = #tpu.pipeline_mode<synchronous>, transform_indices = @transform_1, window_bounds = array<i64: 32, 64>}, {transform_indices = @transform_2, window_bounds = array<i64: 1, 1024, 1024>}, {transform_indices = @transform_3, window_bounds = array<i64: 1, 1, 4096>}, {transform_indices = @transform_4, window_bounds = array<i64: 1, 1024, 1024>}, {transform_indices = @transform_5, window_bounds = array<i64: 1, 1, 1024>}, {pipeline_mode = #tpu.pipeline_mode<synchronous>, transform_indices = @transform_6, window_bounds = array<i64: 32, 1024>}]} {
    %eq3A = arith.constant 0 : i32
    %eq3A_0 = arith.cmpi eq, %arg0, %eq3A : i32
    %eq3A_1 = arith.constant 0 : i32
    %eq3A_2 = arith.cmpi eq, %arg1, %eq3A_1 : i32
    %and3A = arith.andi %eq3A_0, %eq3A_2 : i1
    %convert_element_type3A = arith.extui %and3A : i1 to i32
    %cond3A = arith.constant 0 : i32
    %cond3A_3 = arith.cmpi ne, %convert_element_type3A, %cond3A : i32
    scf.if %cond3A_3 {
      %broadcast_in_dim3A = arith.constant 0.000000e+00 : f32
      %broadcast_in_dim3A_8 = vector.broadcast %broadcast_in_dim3A : f32 to vector<32x1024xf32>
      %swap3A = arith.constant 0 : index
      %swap3A_9 = arith.constant 0 : index
      %swap3A_10 = vector.load %arg9[%swap3A, %swap3A_9] : memref<32x1024xf32, #tpu.memory_space<vmem>>, vector<32x1024xf32>
      tpu.vector_store %arg9[%swap3A, %swap3A_9], %broadcast_in_dim3A_8 {strides = array<i32>} : memref<32x1024xf32, #tpu.memory_space<vmem>>, vector<32x1024xf32>,
    } else {
    }
    %get3A = arith.constant 64 : index
    %get3A_4 = memref.load %arg2[%get3A] : memref<128xi32, #tpu.memory_space<smem>>
    %lt3A = arith.cmpi slt, %arg0, %get3A_4 : i32
    %convert_element_type3A_5 = arith.extui %lt3A : i1 to i32
    %cond3A_6 = arith.constant 0 : i32
    %cond3A_7 = arith.cmpi ne, %convert_element_type3A_5, %cond3A_6 : i32
    scf.if %cond3A_7 {
      %get3A_8 = arith.index_cast %arg0 : i32 to index
      %get3A_9 = memref.load %arg2[%get3A_8] : memref<128xi32, #tpu.memory_space<smem>>
      %iota3A = tpu.iota {dimensions = array<i32: 1>} : vector<32x64xi32>
      %eq3A_10 = vector.broadcast %get3A_9 : i32 to vector<32x64xi32>
      %eq3A_11 = arith.cmpi eq, %iota3A, %eq3A_10 : vector<32x64xi32>
      %get3A_12 = arith.constant 0 : index
      %get3A_13 = arith.constant 0 : index
      %get3A_14 = vector.load %arg4[%get3A_12, %get3A_13] : memref<32x64xf32, #tpu.memory_space<vmem>>, vector<32x64xf32>
      %jit3A = arith.constant 0.000000e+00 : f32
      %broadcast_in_dim3A = vector.broadcast %jit3A : f32 to vector<32x64xf32>
      %select_n3A = arith.select %eq3A_11, %get3A_14, %broadcast_in_dim3A : vector<32x64xi1>, vector<32x64xf32>
      %reduce_sum3A = arith.constant dense<0.000000e+00> : vector<32xf32>
      %reduce_sum3A_15 = vector.multi_reduction <add>, %select_n3A, %reduce_sum3A [1] : vector<32x64xf32> to vector<32xf32>
      %broadcast_in_dim3A_16 = vector.shape_cast %reduce_sum3A_15 : vector<32xf32> to vector<32x1xf32>
      %get3A_17 = arith.constant 0 : index
      %get3A_18 = arith.constant 0 : index
      %get3A_19 = vector.load %arg3[%get3A_17, %get3A_18] : memref<32x1024xf32, #tpu.memory_space<vmem>>, vector<32x1024xf32>
      %get3A_20 = arith.constant 0 : index
      %get3A_21 = arith.constant 0 : index
      %get3A_22 = arith.constant 0 : index
      %get3A_23 = vector.load %arg5[%get3A_20, %get3A_21, %get3A_22] : memref<1x1024x1024xf32, #tpu.memory_space<vmem>>, vector<1x1024x1024xf32>
      %get3A_24 = vector.shape_cast %get3A_23 : vector<1x1024x1024xf32> to vector<1024x1024xf32>
      %dot_general3A = arith.constant dense<0.000000e+00> : vector<32x1024xf32>
      %dot_general3A_25 = tpu.matmul %get3A_19, %get3A_24, %dot_general3A {dimension_numbers = #tpu.dot_dimension_numbers<[1], [1], [0], [0], [0, 0, 1, 0], [], []>, transpose_lhs_hint = false} : vector<32x1024xf32>, vector<1024x1024xf32>, vector<32x1024xf32> -> vector<32x1024xf32>
      %mul3A = arith.constant 1024 : i32
      %mul3A_26 = arith.muli %arg1, %mul3A : i32
      %get3A_27 = arith.constant 0 : index
      %get3A_28 = arith.constant 0 : index
      %get3A_29 = arith.index_cast %mul3A_26 : i32 to index
      %get3A_30 = vector.load %arg6[%get3A_27, %get3A_28, %get3A_29] : memref<1x1x4096xf32, #tpu.memory_space<vmem>>, vector<1x1x1024xf32>
      %get3A_31 = vector.shape_cast %get3A_30 : vector<1x1x1024xf32> to vector<1x1024xf32>
      %add3A = vector.broadcast %get3A_31 : vector<1x1024xf32> to vector<32x1024xf32>
      %add3A_32 = arith.addf %dot_general3A_25, %add3A : vector<32x1024xf32>
      %logistic3A = arith.negf %add3A_32 : vector<32x1024xf32>
      %logistic3A_33 = math.exp %logistic3A : vector<32x1024xf32>
      %logistic3A_34 = arith.constant 1.000000e+00 : f32
      %logistic3A_35 = vector.broadcast %logistic3A_34 : f32 to vector<32x1024xf32>
      %logistic3A_36 = arith.addf %logistic3A_35, %logistic3A_33 : vector<32x1024xf32>
      %logistic3A_37 = arith.divf %logistic3A_35, %logistic3A_36 : vector<32x1024xf32>
      %mul3A_38 = arith.mulf %add3A_32, %logistic3A_37 : vector<32x1024xf32>
      %get3A_39 = arith.constant 0 : index
      %get3A_40 = arith.constant 0 : index
      %get3A_41 = arith.constant 0 : index
      %get3A_42 = vector.load %arg7[%get3A_39, %get3A_40, %get3A_41] : memref<1x1024x1024xf32, #tpu.memory_space<vmem>>, vector<1x1024x1024xf32>
      %get3A_43 = vector.shape_cast %get3A_42 : vector<1x1024x1024xf32> to vector<1024x1024xf32>
      %dot_general3A_44 = arith.constant dense<0.000000e+00> : vector<32x1024xf32>
      %dot_general3A_45 = tpu.matmul %mul3A_38, %get3A_43, %dot_general3A_44 {dimension_numbers = #tpu.dot_dimension_numbers<[1], [1], [0], [0], [0, 0, 1, 0], [], []>, transpose_lhs_hint = false} : vector<32x1024xf32>, vector<1024x1024xf32>, vector<32x1024xf32> -> vector<32x1024xf32>
      %eq3A_46 = arith.constant 0 : i32
      %eq3A_47 = arith.cmpi eq, %arg1, %eq3A_46 : i32
      %jit3A_48 = arith.constant 1.000000e+00 : f32
      %jit3A_49 = arith.constant 0.000000e+00 : f32
      %select_n3A_50 = arith.select %eq3A_47, %jit3A_48, %jit3A_49 : f32
      %get3A_51 = arith.constant 0 : index
      %get3A_52 = arith.constant 0 : index
      %get3A_53 = arith.constant 0 : index
      %get3A_54 = vector.load %arg8[%get3A_51, %get3A_52, %get3A_53] : memref<1x1x1024xf32, #tpu.memory_space<vmem>>, vector<1x1x1024xf32>
      %get3A_55 = vector.shape_cast %get3A_54 : vector<1x1x1024xf32> to vector<1x1024xf32>
      %mul3A_56 = vector.broadcast %select_n3A_50 : f32 to vector<1x1024xf32>
      %mul3A_57 = arith.mulf %mul3A_56, %get3A_55 : vector<1x1024xf32>
      %add3A_58 = vector.broadcast %mul3A_57 : vector<1x1024xf32> to vector<32x1024xf32>
      %add3A_59 = arith.addf %dot_general3A_45, %add3A_58 : vector<32x1024xf32>
      %get3A_60 = arith.constant 0 : index
      %get3A_61 = arith.constant 0 : index
      %get3A_62 = vector.load %arg9[%get3A_60, %get3A_61] : memref<32x1024xf32, #tpu.memory_space<vmem>>, vector<32x1024xf32>
      %mul3A_63 = vector.broadcast %broadcast_in_dim3A_16 : vector<32x1xf32> to vector<32x1024xf32>
      %mul3A_64 = arith.mulf %mul3A_63, %add3A_59 : vector<32x1024xf32>
      %add3A_65 = arith.addf %get3A_62, %mul3A_64 : vector<32x1024xf32>
      %swap3A = arith.constant 0 : index
      %swap3A_66 = arith.constant 0 : index
      %swap3A_67 = vector.load %arg9[%swap3A, %swap3A_66] : memref<32x1024xf32, #tpu.memory_space<vmem>>, vector<32x1024xf32>
      tpu.vector_store %arg9[%swap3A, %swap3A_66], %add3A_65 {strides = array<i32>} : memref<32x1024xf32, #tpu.memory_space<vmem>>, vector<32x1024xf32>,
    } else {
    }
    return
  }
  func.func @transform_0(%arg0: i32, %arg1: i32, %arg2: memref<128xi32, #tpu.memory_space<smem>>) -> (i32, i32) {
    %c0_i32 = arith.constant 0 : i32
    %c0_i32_0 = arith.constant 0 : i32
    %c0_i32_1 = arith.constant 0 : i32
    return %c0_i32, %c0_i32_0 : i32, i32
  }
  func.func @transform_1(%arg0: i32, %arg1: i32, %arg2: memref<128xi32, #tpu.memory_space<smem>>) -> (i32, i32) {
    %c0_i32 = arith.constant 0 : i32
    %c0_i32_0 = arith.constant 0 : i32
    %c0_i32_1 = arith.constant 0 : i32
    return %c0_i32, %c0_i32_0 : i32, i32
  }
  func.func @transform_2(%arg0: i32, %arg1: i32, %arg2: memref<128xi32, #tpu.memory_space<smem>>) -> (i32, i32, i32) {
    %get3A = arith.constant 64 : index
    %get3A_0 = memref.load %arg2[%get3A] : memref<128xi32, #tpu.memory_space<smem>>
    %ge3A = arith.cmpi sge, %arg0, %get3A_0 : i32
    %get3A_1 = arith.index_cast %arg0 : i32 to index
    %get3A_2 = memref.load %arg2[%get3A_1] : memref<128xi32, #tpu.memory_space<smem>>
    %jit3A = arith.constant 3 : i32
    %select_n3A = arith.select %ge3A, %jit3A, %arg1 : i32
    %c0_i32 = arith.constant 0 : i32
    %c0_i32_3 = arith.constant 0 : i32
    return %get3A_2, %select_n3A, %c0_i32 : i32, i32, i32
  }
  func.func @transform_3(%arg0: i32, %arg1: i32, %arg2: memref<128xi32, #tpu.memory_space<smem>>) -> (i32, i32, i32) {
    %get3A = arith.index_cast %arg0 : i32 to index
    %get3A_0 = memref.load %arg2[%get3A] : memref<128xi32, #tpu.memory_space<smem>>
    %c0_i32 = arith.constant 0 : i32
    %c0_i32_1 = arith.constant 0 : i32
    %c0_i32_2 = arith.constant 0 : i32
    return %get3A_0, %c0_i32, %c0_i32_1 : i32, i32, i32
  }
  func.func @transform_4(%arg0: i32, %arg1: i32, %arg2: memref<128xi32, #tpu.memory_space<smem>>) -> (i32, i32, i32) {
    %get3A = arith.constant 64 : index
    %get3A_0 = memref.load %arg2[%get3A] : memref<128xi32, #tpu.memory_space<smem>>
    %ge3A = arith.cmpi sge, %arg0, %get3A_0 : i32
    %get3A_1 = arith.index_cast %arg0 : i32 to index
    %get3A_2 = memref.load %arg2[%get3A_1] : memref<128xi32, #tpu.memory_space<smem>>
    %jit3A = arith.constant 3 : i32
    %select_n3A = arith.select %ge3A, %jit3A, %arg1 : i32
    %c0_i32 = arith.constant 0 : i32
    %c0_i32_3 = arith.constant 0 : i32
    return %get3A_2, %c0_i32, %select_n3A : i32, i32, i32
  }
  func.func @transform_5(%arg0: i32, %arg1: i32, %arg2: memref<128xi32, #tpu.memory_space<smem>>) -> (i32, i32, i32) {
    %get3A = arith.index_cast %arg0 : i32 to index
    %get3A_0 = memref.load %arg2[%get3A] : memref<128xi32, #tpu.memory_space<smem>>
    %c0_i32 = arith.constant 0 : i32
    %c0_i32_1 = arith.constant 0 : i32
    %c0_i32_2 = arith.constant 0 : i32
    return %get3A_0, %c0_i32, %c0_i32_1 : i32, i32, i32
  }
  func.func @transform_6(%arg0: i32, %arg1: i32, %arg2: memref<128xi32, #tpu.memory_space<smem>>) -> (i32, i32) {
    %c0_i32 = arith.constant 0 : i32
    %c0_i32_0 = arith.constant 0 : i32
    %c0_i32_1 = arith.constant 0 : i32
    return %c0_i32, %c0_i32_0 : i32, i32
  }
}

</mosaic_0001>

<sc_bundles>
// kernel: kernel.5.cloned.1.call-start
scs
__scs_entry_jumppad:
0x0: {  	(pc) =	sbr.rel $0x88, $3  }
0x1: {  	(tag) =	ssettag $0x0;
	lr =	simm.s32 $0x1  }
0x2: {  	[smem:$0x3F9B] =	sst lr;
	_ =	strace $0xD0000000  }
0x3: {  	_ = 	snop  }
0x4: {  	_ = 	snop  }
0x5: {  	_ = 	snop  }
0x6: {  	_ = 	snop  }
0x7: {  	_ = 	snop  }
__scs_overlays_trampoline_lowered:
0x8: {  	[smem:$0x3FAA] =	sst s0  }
0x9: {  	[smem:$0x3FAB] =	sst s1  }
0xa: {  	[smem:$0x3FAC] =	sst s2  }
0xb: {  	[smem:$0x3FAD] =	sst s3  }
0xc: {  	[smem:$0x3FAE] =	sst s4  }
0xd: {  	[smem:$0x3FAF] =	sst s5  }
0xe: {  	[smem:$0x3FB0] =	sst s6  }
0xf: {  	[smem:$0x3FB1] =	sst s7  }
0x10: {  	[smem:$0x3FB2] =	sst s8  }
0x11: {  	[smem:$0x3FB3] =	sst s9;
	s0 =	simm.s32 @!p0 $0x0  }
0x12: {  	s1 =	sld [smem:$0x3F99];
	s0 =	simm.s32 @p0 $0x1  }
0x13: {  	[smem:$0x3FB4] =	sst s0;
	s0 =	simm.s32 @!p1 $0x0  }
0x14: {  	s2 =	sld [smem:$0x3F98];
	s0 =	simm.s32 @p1 $0x1  }
0x15: {  	[smem:$0x3FB5] =	sst s0;
	s0 =	simm.s32 @!p2 $0x0  }
0x16: {  	s3 =	sld [smem:$0x3FDB];
	s0 =	simm.s32 @p2 $0x1  }
0x17: {  	s4 =	simm.s32 $0x1BF5;
	[smem:$0x3FB7] =	sst s0  }
0x18: {  	s0 =	sld [smem:$0x3F9A];
	_ =	swait.ge [sflag:s4], $0x0  }
0x19: {  	s7 =	sld [smem:$0x3F9B]  }
0x1a: {  	s8 =	sadd.s32 $0xFFFFE003, lr  }
0x1b: {  	s9 =	sadd.s32 $0xFFFFFEF7, lr;
	s5 =	simm.s32 $0xFFFFFFFF;
	p2 =	slt.u32 s8, $0xFFFFF086  }
0x1c: {  	p1 =	slt.u32 s9, $0xF7A;
	s5 =	simm.s32 @!p2 $0x0  }
0x1d: {  	s5 =	simm.s32 @p1 $0x1;
	p0 =	seq.s32 s7, s2  }
0x1e: {  	s7 =	smul.u32 @!p0 $0xF7A, s2;
	p2 =	seq.s32 @!p0 s5, $0x0  }
0x1f: {  	s9 =	smul.u32 $0xF7A, s1;
	s8 =	simm.s32 @!p0 $0x1BF5;
	p2 =	por !p2, p0  }
0x20: {  	[sflag:s8] =	ssyncset.s32 @!p0 $0xFFFFF086;
	s6 =	sadd.s32 @!p0 s3, s7;
	s7 =	simm.s32 @!p0 $0x108  }
0x21: {  	s3 =	sadd.s32 s3, s9;
	s6 =	sadd.s32 @!p0 $0x88, s6;
	s7 =	simm.s32 @p2 $0x1082  }
0x22: {  	[simem:s7], [sflag:s8] =	dma.local @!p0 [hbm:s6], $0xF7A  }
0x23: {  	s9 =	sor.u32 $0xD0000000, s2;
	s6 =	simm.s32 $0x108;
	_ =	swait.ge @!p0 [sflag:s8], $0x0  }
0x24: {  	s3 =	sadd.s32 $0x88, s3;
	s6 =	simm.s32 @!p1 $0x1082;
	[sflag:s4] =	ssyncset.s32 $0xFFFFF086  }
0x25: {  	[simem:s6], [sflag:s4] =	dma.local [hbm:s3], $0xF7A  }
0x26: {  	[smem:$0x3F9B] =	sst s1;
	(tag) =	ssettag s2;
	_ =	strace s9  }
0x27: {  	s1 =	sld [smem:$0x3FAB]  }
0x28: {  	s2 =	sld [smem:$0x3FAC]  }
0x29: {  	s4 =	sld [smem:$0x3FAE]  }
0x2a: {  	p0 =	seq.s32 s5, $0x0;
	s5 =	sld [smem:$0x3FAF]  }
0x2b: {  	s6 =	sld [smem:$0x3FB0]  }
0x2c: {  	s7 =	sld [smem:$0x3FB1]  }
0x2d: {  	s3 =	simm.s32 $0x108;
	s8 =	sld [smem:$0x3FB2]  }
0x2e: {  	s3 =	simm.s32 @!p0 $0x1082;
	s9 =	sld [smem:$0x3FB3]  }
0x2f: {  	lr =	sadd.s32 s0, s3;
	s0 =	sld [smem:$0x3FAA]  }
0x30: {  	s3 =	sld [smem:$0x3FAD]  }
0x31: {  	[smem:$0x3FB6] =	sst s10  }
0x32: {  	s10 =	sld [smem:$0x3FB4];
	_ =	sdelay $0x3  }
0x33: {  	p0 =	seq.s32 s10, $0x1;
	s10 =	sld [smem:$0x3FB6];
	_ =	sdelay $0x3  }
0x34: {  	[smem:$0x3FB6] =	sst s10  }
0x35: {  	s10 =	sld [smem:$0x3FB5];
	_ =	sdelay $0x3  }
0x36: {  	p1 =	seq.s32 s10, $0x1;
	s10 =	sld [smem:$0x3FB6];
	_ =	sdelay $0x3  }
0x37: {  	[smem:$0x3FB6] =	sst s10  }
0x38: {  	s10 =	sld [smem:$0x3FB7]  }
0x39: {  	_ = 	snop;
	(pc) =	sbr.ind lr, $3  }
0x3a: {  	_ = 	snop  }
0x3b: {  	_ = 	snop  }
0x3c: {  	p2 =	seq.s32 s10, $0x1;
	s10 =	sld [smem:$0x3FB6]  }
0x3d: {  	_ =	shalt  }
0x3e: {  	_ =	shalt  }
0x3f: {  	_ =	shalt  }
0x40: {  	_ =	shalt  }
0x41: {  	_ =	shalt  }
0x42: {  	_ =	shalt  }
0x43: {  	_ =	shalt  }
0x44: {  	_ =	shalt  }
0x45: {  	_ =	shalt  }
0x46: {  	_ =	shalt  }
0x47: {  	_ =	shalt  }
0x48: {  	_ =	shalt  }
0x49: {  	_ =	shalt  }
0x4a: {  	_ =	shalt  }
0x4b: {  	_ =	shalt  }
0x4c: {  	_ =	shalt  }
0x4d: {  	_ =	shalt  }
0x4e: {  	_ =	shalt  }
0x4f: {  	_ =	shalt  }
0x50: {  	_ =	shalt  }
0x51: {  	_ =	shalt  }
0x52: {  	_ =	shalt  }
0x53: {  	_ =	shalt  }
0x54: {  	_ =	shalt  }
0x55: {  	_ =	shalt  }
0x56: {  	_ =	shalt  }
0x57: {  	_ =	shalt  }
0x58: {  	_ =	shalt  }
0x59: {  	_ =	shalt  }
0x5a: {  	_ =	shalt  }
0x5b: {  	_ =	shalt  }
0x5c: {  	_ =	shalt  }
0x5d: {  	_ =	shalt  }
0x5e: {  	_ =	shalt  }
0x5f: {  	_ =	shalt  }
0x60: {  	_ =	shalt  }
0x61: {  	_ =	shalt  }
0x62: {  	_ =	shalt  }
0x63: {  	_ =	shalt  }
0x64: {  	_ =	shalt  }
0x65: {  	_ =	shalt  }
0x66: {  	_ =	shalt  }
0x67: {  	_ =	shalt  }
0x68: {  	_ =	shalt  }
0x69: {  	_ =	shalt  }
0x6a: {  	_ =	shalt  }
0x6b: {  	_ =	shalt  }
0x6c: {  	_ =	shalt  }
0x6d: {  	_ =	shalt  }
0x6e: {  	_ =	shalt  }
0x6f: {  	_ =	shalt  }
0x70: {  	_ =	shalt  }
0x71: {  	_ =	shalt  }
0x72: {  	_ =	shalt  }
0x73: {  	_ =	shalt  }
0x74: {  	_ =	shalt  }
0x75: {  	_ =	shalt  }
0x76: {  	_ =	shalt  }
0x77: {  	_ =	shalt  }
0x78: {  	_ =	shalt  }
0x79: {  	_ =	shalt  }
0x7a: {  	_ =	shalt  }
0x7b: {  	_ =	shalt  }
0x7c: {  	_ =	shalt  }
0x7d: {  	_ =	shalt  }
0x7e: {  	_ =	shalt  }
0x7f: {  	_ =	shalt  }
0x80: {  	_ =	shalt  }
0x81: {  	_ =	shalt  }
0x82: {  	_ =	shalt  }
0x83: {  	_ =	shalt  }
0x84: {  	_ =	shalt  }
0x85: {  	_ =	shalt  }
0x86: {  	_ =	shalt  }
0x87: {  	_ =	shalt  }
.Lfunc_end0:
.L_simem_size_0:
called_computation_lowered:
.L_overlay_start_0:
0x88: {  	s2 =	sld [smem:$0x3FD9]  }
0x89: {  	s3 =	sld [smem:$0x3FFE];
	_ =	sdelay $0x1  }
0x8a: {  	s1 =	srdreg.scid  }
0x8b: {  	s0 =	sand.u32 $0x1, s1  }
0x8c: {  	s14 =	sshll.u32 s0, $0xA;
	s2 =	sadd.s32 s3, s2  }
0x8d: {  	s2 =	sadd.s32 s2, s14  }
0x8e: {  	[smem:$0x3FC2] =	sst s2  }
0x8f: {  	_ = 	snop  }
0x90: {  	s2 =	sld [smem:$0x3FD0];
	_ =	sdelay $0x2  }
0x91: {  	s15 =	simm.s32 $0xA;
	s4 =	simm.s32 $0x10  }
0x92: {  	[smem:s4], [sflag:s15] =	dma.local [hbm:s2], $0x1  }
0x93: {  	_ =	swait.eq [sflag:s15], $0x1  }
0x94: {  	[sflag:s15] =	ssyncset.done $0x0  }
0x95: {  	s16 =	sld [smem:$0x10];
	[sflag:s15] =	ssyncadd.s32 $0xFFFFFFFF  }
0x96: {  	s17 =	sld [smem:$0x11];
	(tm) =	ssettm $0x1  }
0x97: {  	s18 =	sld [smem:$0x3FFB];
	_ =	sdelay $0x3  }
0x98: {  	_ =	strace s18  }
0x99: {  	s4 =	sld [smem:$0x3FFC];
	_ =	sdelay $0x3  }
0x9a: {  	_ =	strace s4  }
0x9b: {  	s4 =	sld [smem:$0x3FFD];
	_ =	sdelay $0x3  }
0x9c: {  	_ =	strace s4  }
0x9d: {  	_ =	strace $0x8FFFFFFF  }
0x9e: {  	s19 =	sld [smem:$0x3FDB];
	_ =	sdelay $0x1  }
0x9f: {  	s5 =	simm.s32 $_scs_section_size  }
0xa0: {  	s6 =	simm.s32 $_size__tile_overlayer_lowered;
	s7 =	simm.s32 $_tile_overlayer_lowered  }
0xa1: {  	s22 =	simm.s32 $0x1BFF;
	s21 =	sshll.u32 s7, $0x1;
	s4 =	sadd.s32 s5, s19  }
0xa2: {  	s8 =	simm.s32 $0x0;
	s20 =	sshll.u32 s6, $0x1;
	s6 =	sadd.s32 s21, s4  }
0xa3: {  	[timem:s8], [sflag:s22] =	dma.local [hbm:s6], s20  }
0xa4: {  	_ =	swait.ge [sflag:s22], s20  }
0xa5: {  	s5 =	ssub.s32 $0x0, s20;
	[sflag:s22] =	ssyncset.done $0x0  }
0xa6: {  	[sflag:s22] =	ssyncadd.s32 s5;
	_ =	sdelay $0x1  }
0xa7: {  	s23 =	simm.s32 $0x1B8B  }
0xa8: {  	_ =	swait.ge [sflag:s23], $0x1  }
0xa9: {  	[sflag:s23] =	ssyncset.done $0x0  }
0xaa: {  	s25 =	simm.s32 $0x1B8E;
	s24 =	sld [smem:$0x3FFE];
	[sflag:s23] =	ssyncadd.s32 $0xFFFFFFFF  }
0xab: {  	s26 =	simm.s32 $execute0_lowered;
	[smem:$0x3FD2] =	sst s25  }
0xac: {  	s6 =	sshll.u32 s26, $0x1;
	_ =	strace $0x80000046;
	[dreg:$0x1] =	wrdreg $0xFFFFFFFF  }
0xad: {  	s28 =	simm.s32 $_size_execute0_lowered;
	s4 =	sadd.s32 s4, s6;
	[dreg:$0x0] =	wrdreg $0x0  }
0xae: {  	s6 =	sshll.u32 s28, $0x1;
	[dreg:$0x2] =	wrdreg s4  }
0xaf: {  	[dreg:$0x3] =	wrdreg s6  }
0xb0: {  	[dreg:$0x4] =	wrdreg $0xC0  }
0xb1: {  	_ =	task [dreg:s8], $0x5FFFF  }
0xb2: {  	[dreg:$0x1] =	wrdreg $0xFFFFFFFF  }
0xb3: {  	[dreg:$0x0] =	wrdreg $0x60  }
0xb4: {  	[dreg:$0x2] =	wrdreg s16  }
0xb5: {  	[dreg:$0x3] =	wrdreg s24  }
0xb6: {  	[dreg:$0x4] =	wrdreg s17  }
0xb7: {  	[dreg:$0x5] =	wrdreg $0x9  }
0xb8: {  	_ =	task.clear_ibuf [dreg:s8], $0x6FFFF;
	_ =	strace $0x90000046  }
0xb9: {  	s29 =	simm.s32 $0x9;
	_ =	strace $0x80000048  }
0xba: {  	_ =	swait.ge [sflag:s29], $0x1  }
0xbb: {  	[sflag:s29] =	ssyncadd.s32 $0xFFFFFFFF  }
0xbc: {  	_ =	strace $0x90000048  }
0xbd: {  	_ =	sfence  }
0xbe: {  	s30 =	sld [smem:$0x0];
	_ =	sdelay $0x2  }
0xbf: {  	s31 =	sshll.u32 s1, $0xD;
	s1 =	sshrl.u32 s1, $0x2  }
0xc0: {  	s3 =	sand.u32 $0x4000, s31;
	s1 =	sadd.s32 s1, s30  }
0xc1: {  	s0 =	sor.u32 s3, s0;
	s1 =	sshll.u32 s1, $0x11  }
0xc2: {  	s0 =	sor.u32 s1, s0  }
0xc3: {  	s0 =	sadd.s32 $0x8F2B, s0  }
0xc4: {  	[sflag:s0] =	ssyncadd.remote.s32 $0x1  }
0xc5: {  	_ =	sfence.sel $0xFFFF  }
0xc6: {  	[dreg:$0x0] =	wrdreg $0xFFFFFFFF;
	(pc) =	sbr.abs _section_cstart, $3  }
0xc7: {  	[dreg:$0x1] =	wrdreg $0xFFFFFFFF  }
0xc8: {  	_ =	task.clear_ibuf [dreg:s8], $0x2FFFF;
	_ =	strace $0x9FFFFFFF  }
0xc9: {  	(tm) =	ssettm $0x7FFFFFFF  }
tec
execute0_lowered:
.L_overlay_start_1:
0x0: {  	(tag) =	ssettag $0x1  }
0x1: {  	s1 =	srdreg.scid  }
0x2: {  	s2 =	stileid.u32;
	s1 =	sand.u32 $0x1, s1  }
0x3: {  	s2 =	sor.u32 s2, s1  }
0x4: {  	p0 =	sne.s32 s2, $0x0  }
.Ltmp0:
0x5: {  	_ = 	snop;
	(pc) =	sbr.rel @p0 .LBB2_5-.Ltmp0, $2  }
0x6: {  	_ =	sdelay $0x2  }
0x7: {  	s0 =	rddreg [dreg:$0x1];
	_ =	strace $0x80000047  }
0x8: {  	vm14 =	vcmask $0x300;
	v0 =	vimm.f32 $1.500000000e+01  }
0x9: {  	vm13 =	vcmask $0x704;
	vm12 =	vcmask $0xB08;
	vm11 =	vcmask $0xF0C  }
0xa: {  	vm10 =	vcmask $0x1310;
	vm9 =	vcmask $0x1714;
	vm5 =	vcmask $0x1B18  }
0xb: {  	vm6 =	vcmask $0x1F1C;
	vm7 =	vcmask $0x2320;
	vm8 =	vcmask $0x2724  }
0xc: {  	vm4 =	vcmask $0x2B28;
	vm3 =	vcmask $0x2F2C;
	vm2 =	vcmask $0x3330  }
0xd: {  	vm0 =	vcmask $0x3734;
	vm1 =	vcmask $0x3B38;
	v10 =	vimm.f32 $3.100000000e+01  }
0xe: {  	v11 =	vimm.f32 $4.700000000e+01;
	v12 =	vimm.f32 $6.300000000e+01;
	v13 =	vimm.s32 $0x0  }
0xf: {  	v0 =	vsel vm14, $0x0, v0;
	v10 =	vsel vm14, $0x41800000, v10;
	v11 =	vsel vm14, $0x42000000, v11  }
0x10: {  	v12 =	vsel vm14, $0x42400000, v12;
	v0 =	vsel vm13, $0x3F800000, v0;
	v10 =	vsel vm13, $0x41880000, v10  }
0x11: {  	v11 =	vsel vm13, $0x42040000, v11;
	v12 =	vsel vm13, $0x42440000, v12;
	v0 =	vsel vm12, $0x40000000, v0  }
0x12: {  	v10 =	vsel vm12, $0x41900000, v10;
	v11 =	vsel vm12, $0x42080000, v11;
	v12 =	vsel vm12, $0x42480000, v12  }
0x13: {  	v0 =	vsel vm11, $0x40400000, v0;
	v10 =	vsel vm11, $0x41980000, v10;
	v11 =	vsel vm11, $0x420C0000, v11  }
0x14: {  	v12 =	vsel vm11, $0x424C0000, v12;
	v0 =	vsel vm10, $0x40800000, v0;
	v10 =	vsel vm10, $0x41A00000, v10  }
0x15: {  	v11 =	vsel vm10, $0x42100000, v11;
	v12 =	vsel vm10, $0x42500000, v12;
	v1 =	vsel vm9, $0x40A00000, v0  }
0x16: {  	v0 =	vlaneseq.u32;
	v10 =	vsel vm9, $0x41A80000, v10;
	v11 =	vsel vm9, $0x42140000, v11  }
0x17: {  	v12 =	vsel vm9, $0x42540000, v12;
	v2 =	vsel vm5, $0x40C00000, v1;
	v1 =	vor.u32 $0x80000000, v0  }
0x18: {  	v10 =	vsel vm5, $0x41B00000, v10;
	v11 =	vsel vm5, $0x42180000, v11;
	v12 =	vsel vm5, $0x42580000, v12  }
0x19: {  	v3 =	vsel vm6, $0x40E00000, v2;
	v2 =	vor.u32 $0x80000010, v0;
	v10 =	vsel vm6, $0x41B80000, v10  }
0x1a: {  	v11 =	vsel vm6, $0x421C0000, v11;
	v12 =	vsel vm6, $0x425C0000, v12;
	v4 =	vsel vm7, $0x41000000, v3  }
0x1b: {  	v3 =	vor.u32 $0x80000020, v0;
	v10 =	vsel vm7, $0x41C00000, v10;
	v11 =	vsel vm7, $0x42200000, v11  }
0x1c: {  	v12 =	vsel vm7, $0x42600000, v12;
	v5 =	vsel vm8, $0x41100000, v4;
	v4 =	vor.u32 $0x80000030, v0  }
0x1d: {  	v10 =	vsel vm8, $0x41C80000, v10;
	v11 =	vsel vm8, $0x42240000, v11;
	v12 =	vsel vm8, $0x42640000, v12  }
0x1e: {  	v6 =	vsel vm4, $0x41200000, v5;
	v5 =	vor.u32 $0x10, v0;
	v10 =	vsel vm4, $0x41D00000, v10  }
0x1f: {  	v11 =	vsel vm4, $0x42280000, v11;
	v12 =	vsel vm4, $0x42680000, v12;
	v7 =	vsel vm3, $0x41300000, v6  }
0x20: {  	v6 =	vor.u32 $0x20, v0;
	v10 =	vsel vm3, $0x41D80000, v10;
	v11 =	vsel vm3, $0x422C0000, v11  }
0x21: {  	v12 =	vsel vm3, $0x426C0000, v12;
	v8 =	vsel vm2, $0x41400000, v7;
	v7 =	vor.u32 $0x30, v0  }
0x22: {  	s1 =	ssub.s32 $0x2, s1;
	v10 =	vsel vm2, $0x41E00000, v10;
	v11 =	vsel vm2, $0x42300000, v11;
	v12 =	vsel vm2, $0x42700000, v12  }
0x23: {  	s3 =	sadd.s32 $0x1400, s0;
	s5 =	sadd.s32 $0x1600, s0;
	s7 =	simm.s32 $0x0;
	v9 =	vsel vm0, $0x41500000, v8;
	v8 =	vimm.f32 $0.0e+00;
	v10 =	vsel vm0, $0x41E80000, v10  }
0x24: {  	s8 =	simm.s32 $0x1;
	s11 =	simm.s32 $0x2000;
	s2 =	sshrl.u32 s1, $0x1;
	v11 =	vsel vm0, $0x42340000, v11;
	v12 =	vsel vm0, $0x42740000, v12;
	v9 =	vsel vm1, $0x41600000, v9  }
0x25: {  	s12 =	simm.s32 $0x0;
	[dreg:$0x4] =	wrdreg s3;
	s6 =	ssub.s32 s1, s2;
	v10 =	vsel vm1, $0x41F00000, v10;
	v11 =	vsel vm1, $0x42380000, v11;
	v12 =	vsel vm1, $0x42780000, v12  }
.LBB2_2:
0x26: {  	s0 =	rddreg [dreg:$0x0]  }
0x27: {  	[tilespmem:s7], [sflag:$0x1] =	stream.linear.gather [hbm4b:s0+s7], $0x1000, $0x38;
	[tilespmem:$0x2100] =	vst v63  }
0x28: {  	_ =	swait.ge [sflag:s8], $0x1000  }
0x29: {  	[sflag:s8] =	ssyncset.done $0x0  }
0x2a: {  	s14 =	simm.s32 $0x0;
	[sflag:s8] =	ssyncadd.s32 $0xFFFFF000  }
0x2b: {  	v16 =	vld [tilespmem:s14+$0x20]  }
0x2c: {  	v21 =	vld [tilespmem:s14+$0x10]  }
0x2d: {  	v23 =	vld [tilespmem:s14+$0x0];
	_ =	sdelay $0x1  }
0x2e: {  	v19 =	vld [tilespmem:s14+$0x30]  }
0x2f: {  	(xrf0) =	vmax.scan.msk.f32 $0xffff, v16  }
0x30: {  	(xrf0) =	vmax.scan.msk.f32 $0xffff, v21  }
0x31: {  	(xrf0) =	vmax.scan.msk.f32 $0xffff, v23;
	_ =	sdelay $0x1  }
0x32: {  	(xrf0) =	vmax.scan.msk.f32 $0xffff, v19;
	_ =	sdelay $0x1  }
0x33: {  	v14, _, _ =	vpop (xrf0)  }
0x34: {  	(v2sf) =	vpush v14, $0xF;
	v14, _, _ =	vpop (xrf0)  }
0x35: {  	v15, _, _ =	vpop (xrf0);
	(v2sf) =	vpush v14, $0xF  }
0x36: {  	(v2sf) =	vpush v15, $0xF  }
0x37: {  	v14, _, _ =	vpop (xrf0)  }
0x38: {  	(v2sf) =	vpush v14, $0xF;
	_ =	sdelay $0xa  }
0x39: {  	s21 =	spop (v2sf)  }
0x3a: {  	s13 =	simm.s32 $0x80;
	s1 =	spop (v2sf)  }
0x3b: {  	v15 =	vld [tilespmem:s13+$0x20];
	s2 =	spop (v2sf)  }
0x3c: {  	s1 =	smax.f32 s2, s1  }
0x3d: {  	s22 =	spop (v2sf);
	s0 =	smax.f32 s1, s21  }
0x3e: {  	v17 =	vld [tilespmem:s13+$0x10];
	s18 =	smax.f32 s0, s22  }
0x3f: {  	v18 =	vld [tilespmem:s13+$0x0];
	vm0 =	veq.f32 v23, s18  }
0x40: {  	(xrf0) =	vmax.scan.msk.f32 $0xffff, v15;
	vm1 =	veq.f32 v21, s18;
	v20 =	vnsel vm0, $0x80000040, v1  }
0x41: {  	v14 =	vld [tilespmem:s13+$0x30];
	v22 =	vnsel vm1, $0x80000040, v2;
	(xrf0) =	vmin.scan.msk.u32 $0xffff, v20  }
0x42: {  	(xrf0) =	vmin.scan.msk.u32 $0xffff, v22  }
0x43: {  	(xrf0) =	vmax.scan.msk.f32 $0xffff, v17  }
0x44: {  	(xrf0) =	vmax.scan.msk.f32 $0xffff, v18;
	_ =	sdelay $0x1  }
0x45: {  	v20, _, _ =	vpop (xrf0);
	(xrf0) =	vmax.scan.msk.f32 $0xffff, v14  }
0x46: {  	v22, _, _ =	vpop (xrf0)  }
0x47: {  	(v2sf) =	vpush v20, $0xF;
	v20, _, _ =	vpop (xrf0)  }
0x48: {  	(v2sf) =	vpush v22, $0xF;
	v24, _, _ =	vpop (xrf0)  }
0x49: {  	v22, _, _ =	vpop (xrf0);
	(v2sf) =	vpush v24, $0xF  }
0x4a: {  	(v2sf) =	vpush v22, $0xF  }
0x4b: {  	v22, _, _ =	vpop (xrf0);
	(v2sf) =	vpush v20, $0xF  }
0x4c: {  	(v2sf) =	vpush v22, $0xF;
	_ =	sdelay $0x9  }
0x4d: {  	s23 =	spop (v2sf)  }
0x4e: {  	s24 =	spop (v2sf)  }
0x4f: {  	s15 =	simm.s32 $0x100;
	s25 =	spop (v2sf)  }
0x50: {  	v27 =	vld [tilespmem:s15+$0x20];
	s3 =	spop (v2sf)  }
0x51: {  	vm0 =	veq.f32 v16, s18;
	s3 =	smax.f32 s3, s25;
	s26 =	spop (v2sf)  }
0x52: {  	vm1 =	veq.f32 v19, s18;
	v20 =	vnsel vm0, $0x80000040, v3;
	s1 =	smax.f32 s3, s23;
	s28 =	spop (v2sf)  }
0x53: {  	v33 =	vld [tilespmem:s15+$0x10];
	v22 =	vnsel vm1, $0x80000040, v4;
	(xrf0) =	vmin.scan.msk.u32 $0xffff, v20;
	s21 =	smax.f32 s1, s28  }
0x54: {  	v32 =	vld [tilespmem:s15+$0x0];
	(xrf0) =	vmin.scan.msk.u32 $0xffff, v22;
	vm0 =	veq.f32 v18, s21  }
0x55: {  	(xrf0) =	vmax.scan.msk.f32 $0xffff, v27;
	vm1 =	veq.f32 v17, s21;
	v20 =	vnsel vm0, $0x80000040, v1  }
0x56: {  	v31 =	vld [tilespmem:s15+$0x30];
	v22 =	vnsel vm1, $0x80000040, v2;
	(xrf0) =	vmin.scan.msk.u32 $0xffff, v20  }
0x57: {  	(xrf0) =	vmin.scan.msk.u32 $0xffff, v22  }
0x58: {  	(xrf0) =	vmax.scan.msk.f32 $0xffff, v33  }
0x59: {  	v20, _, _ =	vpop (xrf0);
	(xrf0) =	vmax.scan.msk.f32 $0xffff, v32  }
0x5a: {  	v22, _, _ =	vpop (xrf0)  }
0x5b: {  	(v2sf) =	vpush v20, $0xF;
	(xrf0) =	vmax.scan.msk.f32 $0xffff, v31;
	v20, _, _ =	vpop (xrf0)  }
0x5c: {  	(v2sf) =	vpush v22, $0xF;
	v22, _, _ =	vpop (xrf0)  }
0x5d: {  	(v2sf) =	vpush v20, $0xF;
	v20, _, _ =	vpop (xrf0)  }
0x5e: {  	(v2sf) =	vpush v22, $0xF;
	v24, _, _ =	vpop (xrf0)  }
0x5f: {  	v22, _, _ =	vpop (xrf0);
	(v2sf) =	vpush v24, $0xF  }
0x60: {  	(v2sf) =	vpush v22, $0xF  }
0x61: {  	v22, _, _ =	vpop (xrf0);
	(v2sf) =	vpush v20, $0xF  }
0x62: {  	(v2sf) =	vpush v22, $0xF;
	_ =	sdelay $0x7  }
0x63: {  	s17 =	spop (v2sf)  }
0x64: {  	s19 =	spop (v2sf)  }
0x65: {  	s20 =	spop (v2sf)  }
0x66: {  	s29 =	spop (v2sf)  }
0x67: {  	s16 =	simm.s32 $0x180;
	s30 =	spop (v2sf)  }
0x68: {  	v20 =	vld [tilespmem:s16+$0x20];
	s22 =	spop (v2sf)  }
0x69: {  	vm0 =	veq.f32 v15, s21;
	s22 =	smax.f32 s22, s30;
	s31 =	spop (v2sf)  }
0x6a: {  	vm1 =	veq.f32 v14, s21;
	v22 =	vnsel vm0, $0x80000040, v3;
	s20 =	smax.f32 s22, s20;
	s4 =	spop (v2sf)  }
0x6b: {  	v26 =	vnsel vm1, $0x80000040, v4;
	v24 =	vld [tilespmem:s16+$0x10];
	(xrf0) =	vmin.scan.msk.u32 $0xffff, v22;
	s20 =	smax.f32 s20, s4  }
0x6c: {  	v25 =	vld [tilespmem:s16+$0x0];
	(xrf0) =	vmin.scan.msk.u32 $0xffff, v26;
	vm0 =	veq.f32 v32, s20  }
0x6d: {  	(xrf0) =	vmax.scan.msk.f32 $0xffff, v20;
	vm1 =	veq.f32 v33, s20;
	v26 =	vnsel vm0, $0x80000040, v1  }
0x6e: {  	v22 =	vld [tilespmem:s16+$0x30];
	v28 =	vnsel vm1, $0x80000040, v2;
	(xrf0) =	vmin.scan.msk.u32 $0xffff, v26  }
0x6f: {  	s0 =	sxor.u32 $0x80000000, s24;
	s2 =	sxor.u32 $0x80000000, s26;
	(xrf0) =	vmin.scan.msk.u32 $0xffff, v28  }
0x70: {  	p0 =	slt.s32 s0, s2;
	(xrf0) =	vmax.scan.msk.f32 $0xffff, v24  }
0x71: {  	s2 =	smov.u32 @p0 s0;
	s0 =	sxor.u32 $0x80000000, s17;
	v26, _, _ =	vpop (xrf0);
	(xrf0) =	vmax.scan.msk.f32 $0xffff, v25  }
0x72: {  	p0 =	slt.s32 s2, s0;
	v28, _, _ =	vpop (xrf0)  }
0x73: {  	s0 =	smov.u32 @p0 s2;
	s2 =	sxor.u32 $0x80000000, s19;
	(v2sf) =	vpush v26, $0xF;
	(xrf0) =	vmax.scan.msk.f32 $0xffff, v22;
	v26, _, _ =	vpop (xrf0)  }
0x74: {  	p0 =	slt.s32 s0, s2;
	(v2sf) =	vpush v28, $0xF;
	v28, _, _ =	vpop (xrf0)  }
0x75: {  	s2 =	smov.u32 @p0 s0;
	(v2sf) =	vpush v26, $0xF;
	v26, _, _ =	vpop (xrf0)  }
0x76: {  	p0 =	slt.s32 s2, $0x40;
	(v2sf) =	vpush v28, $0xF;
	v29, _, _ =	vpop (xrf0)  }
0x77: {  	s2 =	simm.s32 @!p0 $0x40;
	v28, _, _ =	vpop (xrf0);
	(v2sf) =	vpush v29, $0xF  }
0x78: {  	vm0 =	veq.f32 v27, s20;
	(v2sf) =	vpush v28, $0xF;
	v28 =	vmov s2  }
0x79: {  	v29, _, _ =	vpop (xrf0);
	(v2sf) =	vpush v26, $0xF;
	v26 =	vnsel vm0, $0x80000040, v3;
	vm3 =	veq.s32 v28, v0  }
0x7a: {  	vm1 =	veq.s32 v28, v5;
	(v2sf) =	vpush v29, $0xF;
	v29 =	vsel vm3, $0xF149F2CA, v23;
	(xrf0) =	vmin.scan.msk.u32 $0xffff, v26  }
0x7b: {  	v26 =	vsel vm1, $0xF149F2CA, v21;
	(xrf0) =	vmax.scan.msk.f32 $0xffff, v29  }
0x7c: {  	vm2 =	veq.s32 v28, v6;
	(xrf0) =	vmax.scan.msk.f32 $0xffff, v26  }
0x7d: {  	vm0 =	veq.s32 v28, v7;
	v30 =	vsel vm2, $0xF149F2CA, v16  }
0x7e: {  	v28 =	vsel vm0, $0xF149F2CA, v19;
	(xrf0) =	vmax.scan.msk.f32 $0xffff, v30  }
0x7f: {  	(xrf0) =	vmax.scan.msk.f32 $0xffff, v28  }
0x80: {  	v34, _, _ =	vpop (xrf0)  }
0x81: {  	v16, _, _ =	vpop (xrf0)  }
0x82: {  	s9 =	spop (v2sf);
	v19, _, _ =	vpop (xrf0)  }
0x83: {  	s23 =	spop (v2sf);
	(v2sf) =	vpush v19, $0xF  }
0x84: {  	s10 =	spop (v2sf);
	v19, _, _ =	vpop (xrf0);
	(v2sf) =	vpush v16, $0xF  }
0x85: {  	s2 =	spop (v2sf);
	v16, _, _ =	vpop (xrf0);
	(v2sf) =	vpush v19, $0xF  }
0x86: {  	s17 =	simm.s32 $0x200;
	s25 =	spop (v2sf);
	(v2sf) =	vpush v16, $0xF  }
0x87: {  	v19 =	vld [tilespmem:s17+$0x20];
	s24 =	spop (v2sf)  }
0x88: {  	s1 =	sxor.u32 $0x80000000, s29;
	s24 =	smax.f32 s24, s25;
	s0 =	spop (v2sf)  }
0x89: {  	s3 =	sxor.u32 $0x80000000, s31;
	vm4 =	veq.f32 v31, s20;
	s19 =	smax.f32 s24, s10;
	s26 =	spop (v2sf)  }
0x8a: {  	p0 =	slt.s32 s1, s3;
	v21 =	vld [tilespmem:s17+$0x10];
	v16 =	vnsel vm4, $0x80000040, v4;
	s19 =	smax.f32 s19, s26  }
0x8b: {  	s3 =	smov.u32 @p0 s1;
	v23 =	vld [tilespmem:s17+$0x0];
	s1 =	sxor.u32 $0x80000000, s9;
	(xrf0) =	vmin.scan.msk.u32 $0xffff, v16;
	vm4 =	veq.f32 v25, s19  }
0x8c: {  	p0 =	slt.s32 s3, s1;
	(xrf0) =	vmax.scan.msk.f32 $0xffff, v19;
	vm5 =	veq.f32 v24, s19;
	v35 =	vnsel vm4, $0x80000040, v1  }
0x8d: {  	s1 =	smov.u32 @p0 s3;
	s3 =	sxor.u32 $0x80000000, s23;
	v16 =	vld [tilespmem:s17+$0x30];
	v36 =	vnsel vm5, $0x80000040, v2;
	(xrf0) =	vmin.scan.msk.u32 $0xffff, v35  }
0x8e: {  	p0 =	slt.s32 s1, s3;
	(xrf0) =	vmin.scan.msk.u32 $0xffff, v36  }
0x8f: {  	s3 =	smov.u32 @p0 s1;
	(xrf0) =	vmax.scan.msk.f32 $0xffff, v21  }
0x90: {  	p0 =	slt.s32 s3, $0x40;
	(xrf0) =	vmax.scan.msk.f32 $0xffff, v23  }
0x91: {  	s3 =	simm.s32 @!p0 $0x40;
	v59, _, _ =	vpop (xrf0)  }
0x92: {  	(v2sf) =	vpush v34, $0xF;
	v61 =	vmov s3;
	v60, _, _ =	vpop (xrf0);
	(xrf0) =	vmax.scan.msk.f32 $0xffff, v16;
	s28 =	spop (v2sf)  }
0x93: {  	vm8 =	veq.s32 v61, v5;
	(v2sf) =	vpush v59, $0xF;
	v62, _, _ =	vpop (xrf0);
	s29 =	spop (v2sf)  }
0x94: {  	vm4 =	veq.f32 v20, s19;
	vm5 =	veq.s32 v61, v0;
	(v2sf) =	vpush v60, $0xF;
	v63, _, _ =	vpop (xrf0);
	s1 =	smax.f32 s29, s28;
	s30 =	spop (v2sf)  }
0x95: {  	v37 =	vnsel vm4, $0x80000040, v3;
	v42 =	vsel vm5, $0xF149F2CA, v18;
	(v2sf) =	vpush v62, $0xF;
	v18, _, _ =	vpop (xrf0);
	s1 =	smax.f32 s1, s30;
	s31 =	spop (v2sf)  }
0x96: {  	v41 =	vsel vm8, $0xF149F2CA, v17;
	vm4 =	veq.s32 v61, v6;
	(xrf0) =	vmin.scan.msk.u32 $0xffff, v37;
	v17, _, _ =	vpop (xrf0);
	(v2sf) =	vpush v18, $0xF;
	s1 =	smax.f32 s1, s31  }
0x97: {  	v39 =	vsel vm4, $0xF149F2CA, v15;
	(xrf0) =	vmax.scan.msk.f32 $0xffff, v42;
	(v2sf) =	vpush v17, $0xF;
	vm6 =	veq.f32 v29, s1  }
0x98: {  	(xrf0) =	vmax.scan.msk.f32 $0xffff, v41;
	s3 =	ssub.f32 s1, s18;
	v15, _, _ =	vpop (xrf0);
	(v2sf) =	vpush v63, $0xF;
	v17 =	vnsel vm6, $0x80000040, v1;
	vm6 =	veq.f32 v26, s1  }
0x99: {  	(xrf0) =	vmax.scan.msk.f32 $0xffff, v39;
	(v2sf) =	vpush v15, $0xF;
	v15 =	vnsel vm6, $0x80000040, v2  }
0x9a: {  	(xrf0) =	vmin.scan.msk.u32 $0xffff, v17;
	v17 =	vmov s3  }
0x9b: {  	(xrf0) =	vmin.scan.msk.u32 $0xffff, v15;
	v17 =	vmul.f32 $1.442695020e+00, v17  }
0x9c: {  	vm9 =	veq.s32 v61, v7;
	v15, _, _ =	vpop (xrf0)  }
0x9d: {  	v36 =	vsel vm9, $0xF149F2CA, v14;
	vm6 =	veq.f32 v28, s1;
	v17 =	vbroadcast v17, $0x0;
	v14, _, _ =	vpop (xrf0)  }
0x9e: {  	v18 =	vnsel vm6, $0x80000040, v4;
	vm6 =	veq.f32 v30, s1;
	(xrf0) =	vmax.scan.msk.f32 $0xffff, v36;
	v26, _, _ =	vpop (xrf0)  }
0x9f: {  	(xrf0) =	vmin.scan.msk.u32 $0xffff, v18;
	v18 =	vnsel vm6, $0x80000040, v3;
	(v2sf) =	vpush v26, $0xF;
	v26, _, _ =	vpop (xrf0)  }
0xa0: {  	(xrf0) =	vmin.scan.msk.u32 $0xffff, v18;
	(v2sf) =	vpush v14, $0xF;
	v14, _, _ =	vpop (xrf0)  }
0xa1: {  	(erf) = vpow2.f32 v17;
	v17, _, _ =	vpop (xrf0)  }
0xa2: {  	s3 =	spop (v2sf);
	(v2sf) =	vpush v17, $0xF;
	_ =	sdelay $0x1  }
0xa3: {  	s4 =	spop (v2sf);
	v17, _, _ =	vpop (xrf0);
	(v2sf) =	vpush v26, $0xF  }
0xa4: {  	s9 =	spop (v2sf);
	v18, _, _ =	vpop (xrf0);
	(v2sf) =	vpush v17, $0xF  }
0xa5: {  	v38 =	vimm.f32 $0.0e+00;
	vm3 =	vmmov vm3;
	s10 =	spop (v2sf);
	(v2sf) =	vpush v14, $0xF;
	v14, _, _ =	vpop (xrf0)  }
0xa6: {  	vm2 =	vmmov vm2;
	vm0 =	vmmov vm0;
	s2 =	sxor.u32 $0x80000000, s2;
	s0 =	sxor.u32 $0x80000000, s0;
	s26 =	spop (v2sf);
	(v2sf) =	vpush v14, $0xF  }
0xa7: {  	vm7 =	vmmov vm3;
	v34 =	vimm.f32 $0.0e+00;
	p0 =	slt.s32 s2, s0;
	vm3 =	vmmov vm5;
	s18 =	simm.s32 $0x280;
	s25 =	spop (v2sf)  }
0xa8: {  	s0 =	smov.u32 @p0 s2;
	v37 =	vimm.f32 $0.0e+00;
	v28 =	vsel vm8, $0x3F800000, v8;
	vm6 =	veq.f32 v22, s19;
	v14 =	vld [tilespmem:s18+$0x20];
	s24 =	smax.f32 s25, s26;
	s28 =	spop (v2sf)  }
0xa9: {  	s2 =	sxor.u32 $0x80000000, s3;
	v26 =	vsel vm1, $0x3F800000, v8;
	vm1 =	vmmov vm1;
	(v2sf) =	vpush v18, $0xF;
	s22 =	smax.f32 s24, s9;
	s29 =	spop (v2sf)  }
0xaa: {  	p0 =	slt.s32 s0, s2;
	v17 =	vnsel vm6, $0x80000040, v4;
	vm6 =	vmmov vm1;
	vm1 =	vmmov vm8;
	v30 =	vpop (erf);
	s22 =	smax.f32 s22, s29  }
0xab: {  	s2 =	smov.u32 @p0 s0;
	s0 =	sxor.u32 $0x80000000, s4;
	(v2sf) =	vpush v15, $0xF;
	v43 =	vadd.f32 $1.000000000e+00, v30;
	vm5 =	veq.f32 v23, s22  }
0xac: {  	s1 =	simm.s32 $0xC00;
	p0 =	slt.s32 s2, s0;
	(xrf0) =	vmin.scan.msk.u32 $0xffff, v17;
	v18 =	vld [tilespmem:s18+$0x10];
	vm8 =	veq.f32 v21, s22;
	vm10 =	veq.f32 v19, s22;
	vm11 =	veq.f32 v16, s22  }
0xad: {  	v17 =	vld [tilespmem:s18+$0x0];
	s24 =	sxor.u32 $0x80000000, s10;
	s23 =	sxor.u32 $0x80000000, s28;
	v15 =	vnsel vm5, $0x80000040, v1;
	v29 =	vnsel vm8, $0x80000040, v2;
	vm5 =	vmmov vm2;
	(xrf0) =	vmax.scan.msk.f32 $0xffff, v14;
	s30 =	spop (v2sf)  }
0xae: {  	s0 =	smov.u32 @p0 s2;
	p1 =	slt.s32 s24, s23;
	vm2 =	vmmov vm4;
	vm8 =	vmmov vm0;
	v40 =	vnsel vm11, $0x80000040, v4;
	(xrf0) =	vmin.scan.msk.u32 $0xffff, v15;
	v15 =	vld [tilespmem:s18+$0x30];
	s31 =	spop (v2sf)  }
0xaf: {  	s23 =	smov.u32 @p1 s24;
	p1 =	slt.s32 s0, $0x40;
	vm4 =	vmmov vm9;
	v35 =	vsel vm5, $0x3F800000, v8;
	(xrf0) =	vmin.scan.msk.u32 $0xffff, v29;
	v29 =	vimm.f32 $0.0e+00;
	s2 =	smax.f32 s31, s30  }
.LBB2_3:
0xb0: {  	s0 =	simm.s32 @!p1 $0x40;
	s3 =	spop (v2sf)  }
0xb1: {  	(xrf0) =	vmax.scan.msk.f32 $0xffff, v18;
	v44 =	vsel vm7, $0x3F800000, v8;
	v45 =	vsel vm8, $0x3F800000, v8;
	(erf) = vrcp.f32 v43;
	s26 =	smov.u32 s1;
	s24 =	sadd.s32 $0x200, s1;
	s25 =	smov.u32 s18  }
0xb2: {  	p0 =	sne.s32 s1, $0x3E00;
	v43 =	vnsel vm10, $0x80000040, v3;
	v38 =	vadd.f32 v26, v38;
	v26 =	vmovc v28;
	(xrf0) =	vmax.scan.msk.f32 $0xffff, v17;
	v46 =	vmov s0;
	s0 =	spop (v2sf)  }
0xb3: {  	v37 =	vadd.f32 v44, v37;
	(xrf0) =	vmax.scan.msk.f32 $0xffff, v15;
	v28, _, _ =	vpop (xrf0);
	vm11 =	veq.s32 v46, v0;
	vm10 =	veq.s32 v46, v5;
	s0 =	smax.f32 s2, s0;
	s1 =	spop (v2sf)  }
0xb4: {  	s2 =	sxor.u32 $0x80000000, s3;
	v44, _, _ =	vpop (xrf0);
	(v2sf) =	vpush v28, $0xF;
	v28 =	vsel vm11, $0xF149F2CA, v32;
	v32 =	vsel vm10, $0xF149F2CA, v33;
	s3 =	spop (v2sf)  }
0xb5: {  	v34 =	vadd.f32 v45, v34;
	vm0 =	veq.s32 v46, v6;
	s1 =	smax.f32 s0, s1;
	(v2sf) =	vpush v44, $0xF;
	v33, _, _ =	vpop (xrf0);
	(xrf0) =	vmin.scan.msk.u32 $0xffff, v43;
	s0 =	sxor.u32 $0x80000000, s3;
	s3 =	spop (v2sf)  }
0xb6: {  	v27 =	vsel vm0, $0xF149F2CA, v27;
	vm12 =	veq.f32 v42, s1;
	vm13 =	veq.f32 v36, s1;
	s18 =	ssub.f32 s1, s21;
	s21 =	smov.u32 s20;
	v43, _, _ =	vpop (xrf0);
	(xrf0) =	vmax.scan.msk.f32 $0xffff, v28;
	p1 =	slt.s32 s0, s2  }
0xb7: {  	vm9 =	veq.s32 v46, v7;
	s20 =	smov.u32 s19;
	s3 =	sxor.u32 $0x80000000, s3;
	v36, _, _ =	vpop (xrf0);
	(v2sf) =	vpush v33, $0xF;
	(xrf0) =	vmax.scan.msk.f32 $0xffff, v32;
	v33 =	vnsel vm12, $0x80000040, v1;
	s2 =	smov.u32 @p1 s0  }
0xb8: {  	s19 =	smov.u32 s22;
	vm12 =	veq.f32 v41, s1;
	v42, _, _ =	vpop (xrf0);
	(v2sf) =	vpush v36, $0xF;
	v36 =	vsel vm9, $0xF149F2CA, v31;
	(xrf0) =	vmax.scan.msk.f32 $0xffff, v27;
	p1 =	slt.s32 s2, s3;
	s0 =	spop (v2sf)  }
0xb9: {  	v41 =	vnsel vm12, $0x80000040, v2;
	(v2sf) =	vpush v42, $0xF;
	v31, _, _ =	vpop (xrf0);
	v42 =	vnsel vm13, $0x80000040, v4;
	(xrf0) =	vmin.scan.msk.u32 $0xffff, v33;
	s3 =	smov.u32 @p1 s2;
	s2 =	sxor.u32 $0x80000000, s0  }
0xba: {  	vm12 =	veq.f32 v39, s1;
	v33 =	vmov s18;
	(v2sf) =	vpush v43, $0xF;
	s0 =	spop (v2sf);
	(xrf0) =	vmin.scan.msk.u32 $0xffff, v41;
	p1 =	slt.s32 s3, s2;
	v39 =	vpop (erf)  }
0xbb: {  	(v2sf) =	vpush v31, $0xF;
	v43, _, _ =	vpop (xrf0);
	(xrf0) =	vmax.scan.msk.f32 $0xffff, v36;
	v31 =	vmul.f32 $1.442695020e+00, v33;
	s2 =	smov.u32 @p1 s3;
	v33 =	vnsel vm7, $0x0, v39  }
0xbc: {  	v29 =	vadd.f32 v35, v29;
	v44 =	vnsel vm6, $0x0, v39;
	v35 =	vnsel vm8, $0x0, v39;
	v41, _, _ =	vpop (xrf0);
	(xrf0) =	vmin.scan.msk.u32 $0xffff, v42;
	p1 =	slt.s32 s2, $0x40  }
0xbd: {  	v45 =	vnsel vm12, $0x80000040, v3;
	v30 =	vmul.f32 v39, v30;
	v42, _, _ =	vpop (xrf0);
	v31 =	vbroadcast v31, $0x0;
	s2 =	simm.s32 @!p1 $0x40  }
0xbe: {  	v39 =	vnsel vm5, $0x0, v39;
	(v2sf) =	vpush v42, $0xF;
	v42, _, _ =	vpop (xrf0);
	(xrf0) =	vmin.scan.msk.u32 $0xffff, v45;
	v45 =	vmov s2  }
0xbf: {  	(v2sf) =	vpush v41, $0xF;
	v46, _, _ =	vpop (xrf0);
	vm6 =	veq.s32 v45, v0;
	vm5 =	veq.s32 v45, v5  }
0xc0: {  	vm7 =	veq.s32 v45, v6;
	vm8 =	veq.s32 v45, v7;
	v41, _, _ =	vpop (xrf0);
	(erf) = vpow2.f32 v31  }
0xc1: {  	v49 =	vnsel vm6, $0x0, v30;
	v45 =	vnsel vm7, $0x0, v30;
	v31, _, _ =	vpop (xrf0);
	(v2sf) =	vpush v41, $0xF  }
0xc2: {  	v48 =	vnsel vm8, $0x0, v30;
	v33 =	vadd.f32 v49, v33;
	(v2sf) =	vpush v42, $0xF;
	v47, _, _ =	vpop (xrf0)  }
0xc3: {  	v30 =	vnsel vm5, $0x0, v30;
	v41 =	vmovc v32;
	v42 =	vmovc v28;
	s1 =	spop (v2sf);
	(v2sf) =	vpush v31, $0xF;
	v31 =	vadd.f32 v48, v35  }
0xc4: {  	v35 =	vadd.f32 v45, v39;
	s22 =	spop (v2sf);
	(v2sf) =	vpush v46, $0xF;
	v28, _, _ =	vpop (xrf0);
	[tilespmem:s14+$0x1000] =	vst v33;
	v33 =	vsel vm7, $0x3F800000, v8  }
0xc5: {  	v30 =	vadd.f32 v30, v44;
	v39 =	vmovc v27;
	v27 =	vmovc v20;
	(v2sf) =	vpush v28, $0xF;
	[tilespmem:s14+$0x1030] =	vst v31;
	v28 =	vsel vm8, $0x3F800000, v8  }
0xc6: {  	s18 =	sshra.s32 s26, $0x2;
	s3 =	sxor.u32 $0x80000000, s0;
	v20 =	vmovc v19;
	v31 =	vsel vm6, $0x3F800000, v8;
	v29 =	vadd.f32 v33, v29;
	s2 =	spop (v2sf);
	[tilespmem:s14+$0x1020] =	vst v35;
	v34 =	vadd.f32 v28, v34  }
0xc7: {  	p1 =	slt.s32 s23, s3;
	v32 =	vmovc v25;
	v19 =	vmovc v14;
	v28 =	vsel vm10, $0x3F800000, v8;
	v37 =	vadd.f32 v31, v37;
	v35 =	vsel vm5, $0x3F800000, v8;
	s26 =	spop (v2sf);
	s2 =	sxor.u32 $0x80000000, s2;
	[tilespmem:s14+$0x1010] =	vst v30;
	v14 =	vld [tilespmem:s18+$0x20]  }
0xc8: {  	s3 =	smov.u32 @p1 s23;
	v25 =	vmovc v23;
	v23 =	vmovc v17;
	v38 =	vadd.f32 v35, v38;
	v33 =	vmov v24;
	s14 =	smov.u32 s13;
	s0 =	spop (v2sf);
	(v2sf) =	vpush v47, $0xF;
	v17 =	vld [tilespmem:s18+$0x0]  }
0xc9: {  	v24 =	vmov v21;
	v21 =	vmov v18;
	s13 =	smov.u32 s15;
	v31 =	vmov v22;
	s0 =	smax.f32 s0, s26;
	s26 =	spop (v2sf);
	v30 =	vpop (erf);
	v18 =	vld [tilespmem:s18+$0x10]  }
0xca: {  	vm7 =	vmmov vm3;
	s15 =	smov.u32 s16;
	v22 =	vmovc v16;
	v16 =	vmovc v15;
	s0 =	smax.f32 s0, s22;
	s22 =	spop (v2sf);
	(v2sf) =	vpush v43, $0xF;
	v43 =	vadd.f32 $1.000000000e+00, v30;
	v15 =	vld [tilespmem:s18+$0x30]  }
.Ltmp1:
0xcb: {  	vm3 =	vmmov vm11;
	vm6 =	vmmov vm1;
	vm1 =	vmmov vm10;
	s16 =	smov.u32 s17;
	s22 =	smax.f32 s0, s22;
	(pc) =	sbr.rel @p0 .LBB2_3-.Ltmp1, $4  }
0xcc: {  	s17 =	smov.u32 s25;
	s23 =	sxor.u32 $0x80000000, s26;
	s0 =	sxor.u32 $0x80000000, s1;
	vm5 =	veq.f32 v23, s22;
	vm8 =	veq.f32 v21, s22;
	vm10 =	veq.f32 v19, s22;
	(xrf0) =	vmin.scan.msk.u32 $0xffff, v40  }
0xcd: {  	p2 =	slt.s32 s2, s23;
	p1 =	slt.s32 s3, s0;
	(xrf0) =	vmax.scan.msk.f32 $0xffff, v14;
	v35 =	vnsel vm5, $0x80000040, v1;
	v44 =	vnsel vm8, $0x80000040, v2;
	s1 =	spop (v2sf);
	vm5 =	vmmov vm2  }
0xce: {  	vm11 =	veq.f32 v16, s22;
	s23 =	smov.u32 @p2 s2;
	s0 =	smov.u32 @p1 s3;
	vm2 =	vmmov vm0;
	vm8 =	vmmov vm4;
	(xrf0) =	vmin.scan.msk.u32 $0xffff, v35;
	s3 =	spop (v2sf)  }
0xcf: {  	v40 =	vnsel vm11, $0x80000040, v4;
	vm4 =	vmmov vm9;
	p1 =	slt.s32 s0, $0x40;
	v35 =	vsel vm5, $0x3F800000, v8;
	(xrf0) =	vmin.scan.msk.u32 $0xffff, v44;
	s2 =	smax.f32 s3, s1;
	s1 =	smov.u32 s24  }
0xd0: {  	(xrf0) =	vmax.scan.msk.f32 $0xffff, v18;
	s0 =	simm.s32 @!p1 $0x40  }
0xd1: {  	s24 =	spop (v2sf);
	(xrf0) =	vmax.scan.msk.f32 $0xffff, v17;
	v44 =	vmov s0  }
0xd2: {  	v45 =	vnsel vm10, $0x80000040, v3;
	v61 =	vimm.s32 $0x0;
	s4 =	spop (v2sf);
	(xrf0) =	vmax.scan.msk.f32 $0xffff, v15;
	v46, _, _ =	vpop (xrf0);
	vm12 =	veq.s32 v44, v0  }
0xd3: {  	vm10 =	veq.s32 v44, v5;
	s0 =	smax.f32 s2, s4;
	s1 =	spop (v2sf);
	vm0 =	veq.s32 v44, v6;
	v47, _, _ =	vpop (xrf0);
	v48 =	vsel vm12, $0xF149F2CA, v32;
	(xrf0) =	vmin.scan.msk.u32 $0xffff, v45  }
0xd4: {  	(v2sf) =	vpush v46, $0xF;
	v33 =	vsel vm10, $0xF149F2CA, v33;
	v32 =	vsel vm0, $0xFFFFFFFF, v61;
	s29 =	smax.f32 s0, s1;
	v60, _, _ =	vpop (xrf0);
	(xrf0) =	vmax.scan.msk.f32 $0xffff, v48  }
0xd5: {  	[tilespmem:$0x1FFD0] =	vst v32;
	v32 =	vsel vm0, $0xF149F2CA, v27;
	vm14 =	veq.f32 v42, s29;
	v62, _, _ =	vpop (xrf0);
	(xrf0) =	vmax.scan.msk.f32 $0xffff, v33  }
0xd6: {  	(v2sf) =	vpush v47, $0xF;
	vm15 =	veq.f32 v41, s29;
	v42 =	vnsel vm14, $0x80000040, v1;
	v63, _, _ =	vpop (xrf0);
	(xrf0) =	vmax.scan.msk.f32 $0xffff, v32  }
0xd7: {  	(v2sf) =	vpush v60, $0xF;
	v49 =	vnsel vm15, $0x80000040, v2;
	v47, _, _ =	vpop (xrf0);
	(xrf0) =	vmin.scan.msk.u32 $0xffff, v42  }
0xd8: {  	vm9 =	veq.s32 v44, v7;
	(v2sf) =	vpush v63, $0xF;
	v51, _, _ =	vpop (xrf0);
	(xrf0) =	vmin.scan.msk.u32 $0xffff, v49  }
0xd9: {  	v31 =	vsel vm9, $0xF149F2CA, v31;
	(v2sf) =	vpush v47, $0xF;
	v52, _, _ =	vpop (xrf0)  }
0xda: {  	(v2sf) =	vpush v62, $0xF;
	(xrf0) =	vmax.scan.msk.f32 $0xffff, v31;
	v53, _, _ =	vpop (xrf0)  }
0xdb: {  	(v2sf) =	vpush v51, $0xF;
	v54, _, _ =	vpop (xrf0)  }
0xdc: {  	v55, _, _ =	vpop (xrf0)  }
0xdd: {  	(v2sf) =	vpush v54, $0xF;
	v56, _, _ =	vpop (xrf0)  }
0xde: {  	(v2sf) =	vpush v53, $0xF;
	v57, _, _ =	vpop (xrf0)  }
0xdf: {  	s30 =	spop (v2sf);
	(v2sf) =	vpush v57, $0xF  }
0xe0: {  	s28 =	spop (v2sf);
	v58, _, _ =	vpop (xrf0);
	(v2sf) =	vpush v55, $0xF  }
0xe1: {  	s26 =	spop (v2sf);
	(v2sf) =	vpush v58, $0xF;
	_ =	sdelay $0x1  }
0xe2: {  	s9 =	spop (v2sf)  }
0xe3: {  	s3 =	spop (v2sf)  }
0xe4: {  	s25 =	spop (v2sf)  }
0xe5: {  	s1 =	sxor.u32 $0x80000000, s9;
	s0 =	spop (v2sf)  }
0xe6: {  	vm11 =	veq.f32 v36, s29;
	p0 =	slt.s32 s23, s1;
	s10 =	spop (v2sf)  }
0xe7: {  	vm13 =	veq.f32 v39, s29;
	v36 =	vnsel vm11, $0x80000040, v4;
	s1 =	smov.u32 @p0 s23;
	s31 =	spop (v2sf)  }
0xe8: {  	v59 =	vnsel vm13, $0x80000040, v3;
	(xrf0) =	vmin.scan.msk.u32 $0xffff, v36;
	s3 =	sxor.u32 $0x80000000, s3;
	s31 =	smax.f32 s31, s10;
	s2 =	spop (v2sf)  }
0xe9: {  	(xrf0) =	vmin.scan.msk.u32 $0xffff, v59;
	p0 =	slt.s32 s1, s3;
	s4 =	smax.f32 s31, s25;
	s9 =	spop (v2sf)  }
0xea: {  	s3 =	smov.u32 @p0 s1;
	s23 =	smax.f32 s4, s9  }
0xeb: {  	v50 =	vimm.s32 $0x0;
	p0 =	slt.s32 s3, $0x40;
	vm14 =	veq.f32 v17, s23;
	s10 =	spop (v2sf)  }
0xec: {  	v42 =	vsel vm9, $0xFFFFFFFF, v50;
	(xrf0) =	vmin.scan.msk.u32 $0xffff, v40;
	s3 =	simm.s32 @!p0 $0x40;
	vm9 =	veq.f32 v18, s23;
	v60 =	vnsel vm14, $0x80000040, v1;
	s4 =	spop (v2sf)  }
0xed: {  	v62 =	vmov s3;
	vm15 =	veq.f32 v14, s23;
	v61 =	vnsel vm9, $0x80000040, v2;
	(xrf0) =	vmin.scan.msk.u32 $0xffff, v60;
	s25 =	spop (v2sf)  }
0xee: {  	v44, _, _ =	vpop (xrf0);
	v63 =	vnsel vm15, $0x80000040, v3;
	vm15 =	veq.s32 v62, v0;
	s1 =	smax.f32 s4, s10;
	(xrf0) =	vmin.scan.msk.u32 $0xffff, v61;
	s9 =	spop (v2sf)  }
0xef: {  	v45, _, _ =	vpop (xrf0);
	vm13 =	veq.s32 v62, v5;
	v25 =	vsel vm15, $0xF149F2CA, v25;
	(v2sf) =	vpush v56, $0xF;
	(xrf0) =	vmin.scan.msk.u32 $0xffff, v63;
	s1 =	smax.f32 s1, s9;
	s10 =	spop (v2sf)  }
0xf0: {  	v41 =	vsel vm13, $0xF149F2CA, v24;
	vm14 =	veq.s32 v62, v6;
	(v2sf) =	vpush v45, $0xF;
	(xrf0) =	vmax.scan.msk.f32 $0xffff, v25;
	s3 =	smax.f32 s1, s10  }
0xf1: {  	v24 =	vsel vm14, $0xF149F2CA, v20;
	(v2sf) =	vpush v44, $0xF;
	(xrf0) =	vmax.scan.msk.f32 $0xffff, v41;
	vm9 =	veq.f32 v48, s3  }
0xf2: {  	v46, _, _ =	vpop (xrf0);
	(v2sf) =	vpush v52, $0xF;
	(xrf0) =	vmax.scan.msk.f32 $0xffff, v24;
	vm11 =	veq.f32 v33, s3;
	v47 =	vnsel vm9, $0x80000040, v1  }
0xf3: {  	v48, _, _ =	vpop (xrf0);
	v49 =	vnsel vm11, $0x80000040, v2;
	(xrf0) =	vmin.scan.msk.u32 $0xffff, v47  }
0xf4: {  	(v2sf) =	vpush v46, $0xF;
	vm9 =	veq.s32 v62, v7;
	v50, _, _ =	vpop (xrf0);
	(xrf0) =	vmin.scan.msk.u32 $0xffff, v49  }
0xf5: {  	v27 =	vsel vm9, $0xF149F2CA, v22;
	v52, _, _ =	vpop (xrf0)  }
0xf6: {  	(xrf0) =	vmax.scan.msk.f32 $0xffff, v27;
	v53, _, _ =	vpop (xrf0)  }
0xf7: {  	(v2sf) =	vpush v48, $0xF;
	v54, _, _ =	vpop (xrf0)  }
0xf8: {  	(v2sf) =	vpush v50, $0xF;
	v55, _, _ =	vpop (xrf0)  }
0xf9: {  	(v2sf) =	vpush v54, $0xF;
	v56, _, _ =	vpop (xrf0)  }
0xfa: {  	(v2sf) =	vpush v53, $0xF;
	v57, _, _ =	vpop (xrf0)  }
0xfb: {  	s21 =	ssub.f32 s29, s21;
	(v2sf) =	vpush v57, $0xF  }
0xfc: {  	v58, _, _ =	vpop (xrf0);
	(v2sf) =	vpush v55, $0xF  }
0xfd: {  	v59 =	vmov s21;
	(v2sf) =	vpush v58, $0xF  }
0xfe: {  	v22 =	vmul.f32 $1.442695020e+00, v59;
	s1 =	spop (v2sf)  }
0xff: {  	(erf) = vrcp.f32 v43;
	s31 =	spop (v2sf)  }
0x100: {  	s0 =	sxor.u32 $0x80000000, s0;
	s2 =	sxor.u32 $0x80000000, s2;
	v22 =	vbroadcast v22, $0x0;
	s29 =	spop (v2sf)  }
0x101: {  	p0 =	slt.s32 s0, s2;
	s9 =	spop (v2sf)  }
0x102: {  	s2 =	smov.u32 @p0 s0;
	vm11 =	veq.f32 v31, s3;
	(erf) = vpow2.f32 v22;
	s9 =	sxor.u32 $0x80000000, s9  }
0x103: {  	v51 =	vimm.s32 $0x0;
	v31 =	vnsel vm11, $0x80000040, v4;
	s21 =	spop (v2sf);
	p0 =	slt.s32 s2, s9  }
0x104: {  	v36 =	vsel vm9, $0xFFFFFFFF, v51;
	vm9 =	veq.f32 v32, s3;
	(xrf0) =	vmin.scan.msk.u32 $0xffff, v31;
	s21 =	sxor.u32 $0x80000000, s21;
	s9 =	smov.u32 @p0 s2  }
0x105: {  	v32 =	vnsel vm9, $0x80000040, v3;
	p0 =	slt.s32 s9, s21  }
0x106: {  	v38 =	vadd.f32 v26, v38;
	(xrf0) =	vmin.scan.msk.u32 $0xffff, v32;
	s2 =	spop (v2sf);
	s21 =	smov.u32 @p0 s9  }
0x107: {  	vm3 =	vmmov vm3;
	v29 =	vadd.f32 v35, v29;
	vm1 =	vmmov vm1;
	s0 =	spop (v2sf);
	p0 =	slt.s32 s21, $0x40  }
0x108: {  	vm2 =	vmmov vm2;
	v35 =	vsel vm3, $0x3F800000, v8;
	v62 =	vpop (erf);
	vm11 =	veq.f32 v15, s23;
	s9 =	spop (v2sf);
	s21 =	simm.s32 @!p0 $0x40  }
0x109: {  	v40 =	vnsel vm7, $0x0, v62;
	v30 =	vmul.f32 v62, v30;
	s10 =	spop (v2sf);
	v60 =	vmov s21  }
0x10a: {  	s4 =	sxor.u32 $0x80000000, s24;
	s3 =	ssub.f32 s3, s20;
	v39 =	vnsel vm5, $0x0, v62;
	[tilespmem:$0x1FFF0] =	vst v36;
	v61 =	vnsel vm11, $0x80000040, v4;
	v63, _, _ =	vpop (xrf0);
	vm11 =	veq.s32 v60, v0;
	s21 =	spop (v2sf)  }
0x10b: {  	s24 =	sxor.u32 $0x80000000, s30;
	v36 =	vsel vm7, $0x3F800000, v8;
	(xrf0) =	vmin.scan.msk.u32 $0xffff, v61;
	v33 =	vpop (erf);
	s9 =	smax.f32 s10, s9;
	vm0 =	veq.s32 v60, v5;
	v31 =	vsel vm11, $0xF149F2CA, v23;
	s30 =	spop (v2sf)  }
0x10c: {  	v36 =	vadd.f32 v36, v37;
	(v2sf) =	vpush v56, $0xF;
	v44, _, _ =	vpop (xrf0);
	p0 =	slt.s32 s24, s4;
	v23 =	vsel vm0, $0xF149F2CA, v21;
	(xrf0) =	vmax.scan.msk.f32 $0xffff, v31;
	s9 =	smax.f32 s9, s30;
	s30 =	spop (v2sf)  }
0x10d: {  	v47 =	vmov s3;
	v49 =	vadd.f32 $1.000000000e+00, v33;
	(v2sf) =	vpush v44, $0xF;
	s4 =	smov.u32 @p0 s24;
	(xrf0) =	vmax.scan.msk.f32 $0xffff, v23;
	s24 =	smax.f32 s9, s30;
	s9 =	sxor.u32 $0x80000000, s28  }
0x10e: {  	v48 =	vmul.f32 $1.442695020e+00, v47;
	(v2sf) =	vpush v63, $0xF;
	vm9 =	veq.s32 v60, v6;
	p0 =	slt.s32 s4, s9  }
0x10f: {  	(erf) = vrcp.f32 v49;
	v22 =	vsel vm9, $0xF149F2CA, v19;
	vm7 =	veq.f32 v25, s24;
	s9 =	smov.u32 @p0 s4;
	s4 =	sxor.u32 $0x80000000, s26  }
0x110: {  	v19 =	vbroadcast v48, $0x0;
	(xrf0) =	vmax.scan.msk.f32 $0xffff, v22;
	v45 =	vnsel vm7, $0x80000040, v1;
	vm7 =	veq.f32 v41, s24;
	p0 =	slt.s32 s9, s4  }
0x111: {  	v54 =	vnsel vm8, $0x0, v62;
	v50, _, _ =	vpop (xrf0);
	(v2sf) =	vpush v52, $0xF;
	v46 =	vnsel vm7, $0x80000040, v2;
	(xrf0) =	vmin.scan.msk.u32 $0xffff, v45;
	s4 =	smov.u32 @p0 s9  }
0x112: {  	(v2sf) =	vpush v50, $0xF;
	(erf) = vpow2.f32 v19;
	vm7 =	veq.s32 v60, v7;
	v51, _, _ =	vpop (xrf0);
	(xrf0) =	vmin.scan.msk.u32 $0xffff, v46;
	p0 =	slt.s32 s4, $0x40  }
0x113: {  	v41 =	vnsel vm6, $0x0, v62;
	v25 =	vsel vm7, $0xF149F2CA, v16;
	v16 =	vsel vm8, $0x3F800000, v8;
	v53, _, _ =	vpop (xrf0);
	s4 =	simm.s32 @!p0 $0x40  }
0x114: {  	vm7 =	vmmov vm7;
	(xrf0) =	vmax.scan.msk.f32 $0xffff, v25;
	(v2sf) =	vpush v53, $0xF;
	v52 =	vmov s4  }
0x115: {  	v34 =	vadd.f32 v16, v34;
	(v2sf) =	vpush v51, $0xF;
	vm6 =	veq.s32 v52, v6  }
0x116: {  	v55, _, _ =	vpop (xrf0);
	vm5 =	veq.s32 v52, v7;
	vm8 =	veq.s32 v52, v5;
	v56 =	vnsel vm6, $0x0, v30  }
0x117: {  	v32, _, _ =	vpop (xrf0);
	v57 =	vsel vm6, $0x3F800000, v8;
	v59 =	vnsel vm5, $0x0, v30;
	vm6 =	veq.s32 v52, v0  }
0x118: {  	v60 =	vsel vm5, $0x3F800000, v8;
	v51 =	vnsel vm8, $0x0, v30;
	v52 =	vsel vm8, $0x3F800000, v8;
	v58, _, _ =	vpop (xrf0)  }
0x119: {  	s3 =	sxor.u32 $0x80000000, s25;
	s1 =	sxor.u32 $0x80000000, s1;
	v53 =	vpop (erf);
	vm5 =	vmmov vm15;
	v21 =	vadd.f32 v59, v54;
	(v2sf) =	vpush v58, $0xF  }
0x11a: {  	p0 =	slt.s32 s1, s3;
	v61 =	vnsel vm6, $0x0, v30;
	v16 =	vadd.f32 v56, v39;
	v62, _, _ =	vpop (xrf0);
	(v2sf) =	vpush v55, $0xF  }
0x11b: {  	s3 =	smov.u32 @p0 s1;
	s4 =	sxor.u32 $0x80000000, s31;
	v26 =	vpop (erf);
	v63 =	vsel vm6, $0x3F800000, v8;
	v19 =	vadd.f32 v51, v41;
	(v2sf) =	vpush v62, $0xF  }
0x11c: {  	[tilespmem:$0x1FFE0] =	vst v42;
	p0 =	slt.s32 s3, s4;
	v54 =	vadd.f32 $1.000000000e+00, v26;
	v41 =	vnsel vm1, $0x0, v53;
	v42 =	vadd.f32 v57, v29  }
0x11d: {  	s25 =	spop (v2sf);
	s4 =	smov.u32 @p0 s3;
	s3 =	sxor.u32 $0x80000000, s29;
	v34 =	vadd.f32 v60, v34;
	vm1 =	vmmov vm12;
	vm12 =	vmmov vm4  }
0x11e: {  	s2 =	sxor.u32 $0x80000000, s2;
	s1 =	spop (v2sf);
	p0 =	slt.s32 s4, s3;
	v56 =	vmul.f32 v53, v33;
	v33 =	vnsel vm2, $0x0, v53;
	v20 =	vadd.f32 v61, v40  }
0x11f: {  	s9 =	sxor.u32 $0x80000000, s0;
	s0 =	spop (v2sf);
	v40 =	vnsel vm3, $0x0, v53;
	s3 =	smov.u32 @p0 s4;
	v36 =	vadd.f32 v63, v36;
	v39 =	vsel vm12, $0x3F800000, v8  }
0x120: {  	p1 =	slt.s32 s2, s9;
	s30 =	spop (v2sf);
	v44 =	vnsel vm12, $0x0, v53;
	vm1 =	vmmov vm1;
	v55 =	vadd.f32 v52, v38;
	p0 =	slt.s32 s3, $0x40  }
0x121: {  	s9 =	smov.u32 @p1 s2;
	s2 =	sxor.u32 $0x80000000, s30;
	(erf) = vrcp.f32 v54;
	v38 =	vsel vm2, $0x3F800000, v8;
	v53 =	vsel vm1, $0x3F800000, v8;
	s3 =	simm.s32 @!p0 $0x40  }
0x122: {  	s31 =	spop (v2sf);
	p1 =	slt.s32 s9, s2;
	v34 =	vadd.f32 v39, v34;
	v35 =	vadd.f32 v35, v36;
	v57 =	vmov s3  }
0x123: {  	s4 =	sxor.u32 $0x80000000, s31;
	s2 =	smov.u32 @p1 s9;
	v43 =	vadd.f32 v28, v55;
	(v2sf) =	vpush v32, $0xF;
	vm2 =	veq.s32 v57, v0  }
0x124: {  	p0 =	slt.s32 s2, s4;
	vm6 =	veq.s32 v57, v6;
	vm8 =	veq.s32 v57, v7;
	vm12 =	veq.s32 v57, v5  }
0x125: {  	s4 =	smov.u32 @p0 s2;
	v57 =	vsel vm10, $0x3F800000, v8;
	v58 =	vnsel vm6, $0x0, v56;
	v59 =	vsel vm6, $0x3F800000, v8  }
0x126: {  	p0 =	slt.s32 s4, $0x40;
	v60 =	vnsel vm8, $0x0, v56;
	v47 =	vsel vm8, $0x3F800000, v8;
	v61 =	vnsel vm2, $0x0, v56;
	s10 =	spop (v2sf)  }
0x127: {  	s4 =	simm.s32 @!p0 $0x40;
	v49 =	vnsel vm12, $0x0, v56;
	v51 =	vsel vm2, $0x3F800000, v8;
	vm6 =	veq.f32 v27, s24;
	s20 =	spop (v2sf)  }
0x128: {  	vm8 =	veq.f32 v24, s24;
	v50 =	vmov s4;
	v27 =	vnsel vm6, $0x80000040, v4;
	s26 =	spop (v2sf)  }
0x129: {  	v52 =	vsel vm12, $0x3F800000, v8;
	v62 =	vnsel vm8, $0x80000040, v3;
	(xrf0) =	vmin.scan.msk.u32 $0xffff, v27;
	vm3 =	veq.s32 v50, v0;
	s2 =	smax.f32 s20, s10;
	s28 =	spop (v2sf)  }
0x12a: {  	v56 =	vadd.f32 v38, v42;
	vm2 =	veq.s32 v50, v5;
	(xrf0) =	vmin.scan.msk.u32 $0xffff, v62;
	v30 =	vsel vm3, $0xF149F2CA, v17;
	s2 =	smax.f32 s2, s28;
	s29 =	spop (v2sf)  }
0x12b: {  	vm8 =	vmmov vm10;
	vm4 =	veq.s32 v50, v6;
	v29 =	vsel vm2, $0xF149F2CA, v18;
	(xrf0) =	vmax.scan.msk.f32 $0xffff, v30;
	s2 =	smax.f32 s2, s29  }
0x12c: {  	v45 =	vadd.f32 v52, v43;
	v28 =	vsel vm4, $0xF149F2CA, v14;
	(xrf0) =	vmax.scan.msk.f32 $0xffff, v29;
	vm12 =	veq.f32 v31, s2  }
0x12d: {  	v59 =	vadd.f32 v59, v56;
	v24 =	vpop (erf);
	(xrf0) =	vmax.scan.msk.f32 $0xffff, v28;
	vm6 =	veq.f32 v23, s2;
	v63 =	vnsel vm12, $0x80000040, v1  }
0x12e: {  	v54 =	vnsel vm1, $0x0, v24;
	vm1 =	vmmov vm8;
	v55 =	vnsel vm6, $0x80000040, v2;
	(xrf0) =	vmin.scan.msk.u32 $0xffff, v63  }
0x12f: {  	v17 =	vadd.f32 v58, v33;
	v33 =	vnsel vm1, $0x0, v24;
	vm1 =	veq.s32 v50, v7;
	v58, _, _ =	vpop (xrf0);
	(xrf0) =	vmin.scan.msk.u32 $0xffff, v55  }
0x130: {  	s3 =	sxor.u32 $0x80000000, s21;
	s4 =	sxor.u32 $0x80000000, s25;
	v18 =	vadd.f32 v60, v44;
	v14 =	vadd.f32 v49, v41;
	v60, _, _ =	vpop (xrf0);
	v31 =	vsel vm1, $0xF149F2CA, v15;
	v15 =	vld [tilespmem:$0x1FFD0]  }
0x131: {  	v38 =	vsel vm13, $0x3F800000, v8;
	p0 =	slt.s32 s4, s3;
	(v2sf) =	vpush v60, $0xF;
	v23 =	vadd.f32 v61, v40;
	v61, _, _ =	vpop (xrf0);
	(xrf0) =	vmax.scan.msk.f32 $0xffff, v31  }
0x132: {  	s1 =	sxor.u32 $0x80000000, s1;
	v62 =	vld [tilespmem:$0x1FFE0];
	s3 =	smov.u32 @p0 s4;
	v36 =	vadd.f32 v57, v45;
	v41 =	vsel vm0, $0x3F800000, v8;
	(v2sf) =	vpush v58, $0xF;
	v44, _, _ =	vpop (xrf0)  }
0x133: {  	s30 =	ssub.f32 s24, s19;
	vm0 =	vmmov vm0;
	vm3 =	vmmov vm3;
	p0 =	slt.s32 s3, s1;
	v46, _, _ =	vpop (xrf0);
	(v2sf) =	vpush v44, $0xF  }
0x134: {  	s0 =	sxor.u32 $0x80000000, s0;
	vm3 =	vmmov vm3;
	s1 =	smov.u32 @p0 s3;
	v63 =	vadd.f32 v51, v35;
	(v2sf) =	vpush v61, $0xF;
	v35, _, _ =	vpop (xrf0)  }
0x135: {  	p0 =	slt.s32 s1, s0;
	vm10 =	vnez.u8 v15;
	v15 =	vadd.f32 v47, v34;
	v47 =	vmov s30;
	v48, _, _ =	vpop (xrf0)  }
0x136: {  	s0 =	smov.u32 @p0 s1;
	s3 =	ssub.f32 s2, s22;
	vm15 =	veq.f32 v22, s2;
	v40 =	vmul.f32 $1.442695020e+00, v47;
	(v2sf) =	vpush v48, $0xF  }
0x137: {  	p0 =	slt.s32 s0, $0x40;
	vm1 =	vmmov vm1;
	vm12 =	vnez.u8 v62;
	v50, _, _ =	vpop (xrf0);
	(v2sf) =	vpush v46, $0xF  }
0x138: {  	s0 =	simm.s32 @!p0 $0x40;
	v45 =	vmov s3;
	v49 =	vbroadcast v40, $0x0;
	(v2sf) =	vpush v50, $0xF  }
0x139: {  	vm6 =	vmmov vm13;
	v55 =	vmov s0;
	v22 =	vmul.f32 $1.442695020e+00, v45  }
0x13a: {  	vm13 =	veq.s32 v55, v5;
	v34 =	vadd.f32 v53, v63;
	(erf) = vpow2.f32 v49  }
0x13b: {  	v22 =	vbroadcast v22, $0x0;
	vm8 =	vmmov vm10;
	vm10 =	vmmov vm12  }
0x13c: {  	v47 =	vnsel vm15, $0x80000040, v3;
	vm12 =	vmmov vm8;
	vm8 =	vmmov vm14  }
0x13d: {  	vm10 =	vmmov vm10;
	vm14 =	veq.f32 v25, s2;
	v51 =	vsel vm12, $0x3F800000, v8  }
0x13e: {  	v52 =	vsel vm10, $0x3F800000, v8;
	v56 =	vnsel vm10, $0x0, v24;
	vm10 =	veq.s32 v55, v6  }
0x13f: {  	v62 =	vld [tilespmem:$0x1FFF0];
	v44 =	vnsel vm14, $0x80000040, v4;
	vm8 =	vmmov vm8;
	v53 =	vadd.f32 v52, v15  }
0x140: {  	s31 =	spop (v2sf);
	v15 =	vmul.f32 v24, v26;
	v24 =	vnsel vm12, $0x0, v24;
	vm12 =	veq.s32 v55, v7  }
0x141: {  	v37 =	vadd.f32 v51, v59;
	v58 =	vsel vm10, $0x3F800000, v8;
	v60 =	vsel vm12, $0x3F800000, v8;
	s4 =	spop (v2sf)  }
0x142: {  	v48 =	vsel vm13, $0x3F800000, v8;
	v49 =	vsel vm8, $0x3F800000, v8;
	v57 =	vnsel vm10, $0x0, v15;
	s19 =	spop (v2sf)  }
0x143: {  	(xrf0) =	vmin.scan.msk.u32 $0xffff, v44;
	vm10 =	veq.s32 v55, v0;
	v59 =	vnsel vm12, $0x0, v15;
	v37 =	vadd.f32 v58, v37;
	s21 =	spop (v2sf);
	v25 =	vpop (erf)  }
0x144: {  	vm12 =	vnez.u8 v62;
	v32 =	vadd.f32 v60, v53;
	(xrf0) =	vmin.scan.msk.u32 $0xffff, v47;
	s22 =	spop (v2sf);
	v46 =	vadd.f32 $1.000000000e+00, v25  }
0x145: {  	v61 =	vnsel vm10, $0x0, v15;
	v15 =	vnsel vm13, $0x0, v15;
	v26 =	vadd.f32 v59, v56;
	s24 =	spop (v2sf)  }
0x146: {  	s10 =	sxor.u32 $0x80000000, s26;
	vm12 =	vmmov vm12;
	v24 =	vadd.f32 v57, v24;
	s2 =	smax.f32 s22, s21;
	(erf) = vrcp.f32 v46;
	s25 =	spop (v2sf)  }
0x147: {  	s1 =	sxor.u32 $0x80000000, s31;
	v63 =	vsel vm10, $0x3F800000, v8;
	vm10 =	vmmov vm5;
	(erf) = vpow2.f32 v22;
	s2 =	smax.f32 s2, s25;
	s26 =	spop (v2sf)  }
0x148: {  	p0 =	slt.s32 s1, s10;
	vm5 =	vmmov vm11;
	vm11 =	vmmov vm6;
	vm6 =	vmmov vm9;
	s2 =	smax.f32 s2, s26  }
0x149: {  	s10 =	smov.u32 @p0 s1;
	s1 =	sxor.u32 $0x80000000, s4;
	vm9 =	vmmov vm12;
	(v2sf) =	vpush v35, $0xF;
	v50, _, _ =	vpop (xrf0);
	vm12 =	veq.f32 v30, s2  }
0x14a: {  	v27 =	vadd.f32 v61, v54;
	p0 =	slt.s32 s10, s1;
	v51, _, _ =	vpop (xrf0);
	v52 =	vnsel vm12, $0x80000040, v1;
	vm12 =	veq.f32 v29, s2  }
0x14b: {  	v15 =	vadd.f32 v15, v33;
	s3 =	sxor.u32 $0x80000000, s19;
	s1 =	smov.u32 @p0 s10;
	(v2sf) =	vpush v51, $0xF;
	v54 =	vnsel vm12, $0x80000040, v2;
	(xrf0) =	vmin.scan.msk.u32 $0xffff, v52  }
0x14c: {  	v33 =	vadd.f32 v63, v34;
	v34 =	vadd.f32 v48, v36;
	p0 =	slt.s32 s1, s3;
	vm12 =	veq.f32 v31, s2;
	(xrf0) =	vmin.scan.msk.u32 $0xffff, v54  }
0x14d: {  	s3 =	smov.u32 @p0 s1;
	(v2sf) =	vpush v50, $0xF;
	v56 =	vnsel vm12, $0x80000040, v4;
	vm12 =	veq.f32 v28, s2  }
0x14e: {  	v53 =	vsel vm10, $0x3F800000, v8;
	vm5 =	vmmov vm5;
	p0 =	slt.s32 s3, $0x40;
	(xrf0) =	vmin.scan.msk.u32 $0xffff, v56;
	v60 =	vnsel vm12, $0x80000040, v3  }
0x14f: {  	vm6 =	vmmov vm6;
	v55 =	vsel vm9, $0x3F800000, v8;
	v34 =	vadd.f32 v38, v34;
	s3 =	simm.s32 @!p0 $0x40;
	s28 =	ssub.f32 s2, s23;
	v59 =	vpop (erf);
	(xrf0) =	vmin.scan.msk.u32 $0xffff, v60  }
0x150: {  	v57 =	vadd.f32 v53, v33;
	v58 =	vadd.f32 v55, v32;
	v43 =	vmov s3;
	v36 =	vpop (erf)  }
0x151: {  	v33 =	vsel vm2, $0x3F800000, v8;
	vm13 =	veq.s32 v43, v0;
	v44 =	vmov s28;
	v45, _, _ =	vpop (xrf0)  }
0x152: {  	vm14 =	veq.s32 v43, v5;
	v22 =	vadd.f32 v49, v37;
	v37 =	vmul.f32 $1.442695020e+00, v44;
	v46, _, _ =	vpop (xrf0)  }
0x153: {  	vm15 =	veq.s32 v43, v6;
	v47 =	vadd.f32 $1.000000000e+00, v36;
	(v2sf) =	vpush v46, $0xF  }
0x154: {  	v53 =	vsel vm15, $0x3F800000, v8;
	v37 =	vbroadcast v37, $0x0;
	v49, _, _ =	vpop (xrf0);
	(v2sf) =	vpush v45, $0xF  }
0x155: {  	v55 =	vsel vm13, $0x3F800000, v8;
	v22 =	vadd.f32 v53, v22;
	(erf) = vrcp.f32 v47;
	v51, _, _ =	vpop (xrf0)  }
0x156: {  	v61 =	vnsel vm10, $0x0, v59;
	(erf) = vpow2.f32 v37;
	(v2sf) =	vpush v51, $0xF  }
0x157: {  	v62 =	vnsel vm11, $0x0, v59;
	v63 =	vnsel vm9, $0x0, v59;
	v25 =	vmul.f32 v59, v25  }
0x158: {  	s29 =	spop (v2sf);
	v31 =	vnsel vm8, $0x0, v59;
	v28 =	vadd.f32 v55, v57;
	(v2sf) =	vpush v49, $0xF  }
0x159: {  	s0 =	sxor.u32 $0x80000000, s24;
	s1 =	sxor.u32 $0x80000000, s29;
	vm9 =	vmmov vm7;
	vm12 =	veq.s32 v43, v7;
	v56 =	vsel vm14, $0x3F800000, v8  }
0x15a: {  	p0 =	slt.s32 s1, s0;
	s30 =	spop (v2sf);
	v59 =	vsel vm9, $0x3F800000, v8;
	v48 =	vnsel vm13, $0x0, v25;
	v50 =	vnsel vm15, $0x0, v25  }
0x15b: {  	s0 =	smov.u32 @p0 s1;
	v52 =	vnsel vm12, $0x0, v25;
	v25 =	vnsel vm14, $0x0, v25;
	v54 =	vsel vm12, $0x3F800000, v8;
	s1 =	sxor.u32 $0x80000000, s30  }
0x15c: {  	v34 =	vadd.f32 v56, v34;
	vm13 =	vmmov vm0;
	vm14 =	vmmov vm2;
	s31 =	spop (v2sf);
	p0 =	slt.s32 s0, s1  }
0x15d: {  	[tilespmem:s14+$0x1030] =	vst v21;
	vm15 =	vmmov vm4;
	v32 =	vadd.f32 v48, v61;
	v30 =	vadd.f32 v52, v63;
	s1 =	smov.u32 @p0 s0;
	s0 =	sxor.u32 $0x80000000, s31  }
0x15e: {  	[tilespmem:s14+$0x1020] =	vst v16;
	v60 =	vsel vm6, $0x3F800000, v8;
	v31 =	vadd.f32 v50, v31;
	v25 =	vadd.f32 v25, v62;
	p0 =	slt.s32 s1, s0;
	v57 =	vpop (erf)  }
0x15f: {  	[tilespmem:s14+$0x1010] =	vst v19;
	v29 =	vadd.f32 v54, v58;
	v58 =	vsel vm5, $0x3F800000, v8;
	v42 =	vadd.f32 v60, v22;
	s0 =	smov.u32 @p0 s1;
	v62 =	vpop (erf)  }
0x160: {  	[tilespmem:s14+$0x1000] =	vst v20;
	vm14 =	vmmov vm14;
	v34 =	vadd.f32 v41, v34;
	p0 =	slt.s32 s0, $0x40;
	v41 =	vadd.f32 $1.000000000e+00, v62  }
0x161: {  	[tilespmem:s13+$0x1030] =	vst v18;
	vm2 =	vmmov vm15;
	vm15 =	vmmov vm1;
	v20 =	vadd.f32 v58, v28;
	s0 =	simm.s32 @!p0 $0x40  }
0x162: {  	[tilespmem:s13+$0x1020] =	vst v17;
	v56 =	vsel vm2, $0x3F800000, v8;
	v45 =	vmov s0;
	(erf) = vrcp.f32 v41;
	s3 =	spop (v2sf)  }
0x163: {  	[tilespmem:s13+$0x1010] =	vst v14;
	v61 =	vadd.f32 v59, v29;
	vm10 =	veq.s32 v45, v0;
	vm12 =	veq.s32 v45, v6;
	s4 =	spop (v2sf)  }
0x164: {  	[tilespmem:s13+$0x1000] =	vst v23;
	vm11 =	veq.s32 v45, v5;
	v50 =	vsel vm12, $0x3F800000, v8;
	v52 =	vsel vm10, $0x3F800000, v8;
	s0 =	sxor.u32 $0x80000000, s3;
	s1 =	sxor.u32 $0x80000000, s4  }
0x165: {  	[tilespmem:s15+$0x1010] =	vst v15;
	v54 =	vsel vm11, $0x3F800000, v8;
	v19 =	vadd.f32 v50, v42;
	v15 =	vadd.f32 v52, v20;
	s9 =	spop (v2sf);
	p0 =	slt.s32 s1, s0  }
0x166: {  	v55 =	vadd.f32 v54, v34;
	v63 =	vnsel vm5, $0x0, v57;
	v40 =	vnsel vm13, $0x0, v57;
	s0 =	smov.u32 @p0 s1;
	s1 =	sxor.u32 $0x80000000, s9  }
0x167: {  	[tilespmem:s15+$0x1030] =	vst v26;
	v43 =	vnsel vm9, $0x0, v57;
	v44 =	vmul.f32 v57, v36;
	vm13 =	veq.s32 v45, v7;
	s10 =	spop (v2sf);
	p0 =	slt.s32 s0, s1  }
0x168: {  	[tilespmem:s15+$0x1020] =	vst v24;
	v35 =	vnsel vm6, $0x0, v57;
	v57 =	vsel vm3, $0x3F800000, v8;
	v51 =	vsel vm13, $0x3F800000, v8;
	s1 =	smov.u32 @p0 s0;
	s0 =	sxor.u32 $0x80000000, s10  }
0x169: {  	[tilespmem:s15+$0x1000] =	vst v27;
	v20 =	vadd.f32 v33, v55;
	v15 =	vadd.f32 v57, v15;
	v46 =	vnsel vm10, $0x0, v44;
	p0 =	slt.s32 s1, s0  }
0x16a: {  	[tilespmem:s16+$0x1000] =	vst v32;
	v47 =	vnsel vm12, $0x0, v44;
	v48 =	vnsel vm13, $0x0, v44;
	v53 =	vadd.f32 v51, v61;
	s0 =	smov.u32 @p0 s1  }
0x16b: {  	[tilespmem:s16+$0x1030] =	vst v30;
	v49 =	vnsel vm11, $0x0, v44;
	v14 =	vadd.f32 v46, v63;
	v16 =	vadd.f32 v48, v43;
	v58 =	vpop (erf);
	p0 =	slt.s32 s0, $0x40  }
0x16c: {  	[tilespmem:s16+$0x1020] =	vst v31;
	v18 =	vadd.f32 v47, v35;
	v17 =	vadd.f32 v49, v40;
	v59 =	vnsel vm3, $0x0, v58;
	s0 =	simm.s32 @!p0 $0x40  }
0x16d: {  	[tilespmem:s16+$0x1010] =	vst v25;
	v60 =	vnsel vm14, $0x0, v58;
	v61 =	vmul.f32 v58, v62;
	v62 =	vmov s0  }
0x16e: {  	[tilespmem:s17+$0x1000] =	vst v14;
	v14 =	vnsel vm15, $0x0, v58;
	v24 =	vnsel vm2, $0x0, v58;
	vm8 =	veq.s32 v62, v0  }
0x16f: {  	[tilespmem:s17+$0x1030] =	vst v16;
	vm9 =	veq.s32 v62, v5;
	vm10 =	veq.s32 v62, v7;
	v63 =	vnsel vm8, $0x0, v61  }
0x170: {  	[tilespmem:s17+$0x1020] =	vst v18;
	vm11 =	veq.s32 v62, v6;
	v27 =	vnsel vm10, $0x0, v61;
	v16 =	vadd.f32 v63, v59  }
0x171: {  	[tilespmem:s17+$0x1010] =	vst v17;
	v28 =	vnsel vm11, $0x0, v61;
	v29 =	vsel vm8, $0x3F800000, v8;
	v14 =	vadd.f32 v27, v14  }
0x172: {  	v30 =	vnsel vm9, $0x0, v61;
	v31 =	vadd.f32 v28, v24;
	v15 =	vadd.f32 v29, v15;
	[tilespmem:s18+$0x1000] =	vst v16  }
0x173: {  	v32 =	vsel vm15, $0x3F800000, v8;
	v33 =	vadd.f32 v30, v60;
	[tilespmem:s18+$0x1030] =	vst v14;
	v14 =	vsel vm9, $0x3F800000, v8  }
0x174: {  	v19 =	vadd.f32 v56, v19;
	[tilespmem:s18+$0x1020] =	vst v31;
	v34 =	vmul.f32 $1.562500000e-02, v15;
	v14 =	vadd.f32 v14, v20  }
0x175: {  	s14 =	simm.s32 $0x1000;
	s13 =	rddreg [dreg:$0x4];
	v17 =	vadd.f32 v32, v53;
	v35 =	vsel vm11, $0x3F800000, v8;
	[tilespmem:s18+$0x1010] =	vst v33  }
0x176: {  	v36 =	vadd.f32 v35, v19;
	[hbm4b:s13+s7] =	stream.linear.scatter [tilespmem:s14], [sflag:$0x1], $0x1000, $0x38;
	v16 =	vmul.f32 v34, v34;
	v37 =	vmul.f32 $1.562500000e-02, v14;
	[tilespmem:$0x2100] =	vst v63  }
0x177: {  	v38 =	vsel vm10, $0x3F800000, v8;
	_ =	swait.ge [sflag:s8], $0x1000  }
0x178: {  	v17 =	vadd.f32 v38, v17;
	v40 =	vmul.f32 $1.562500000e-02, v36;
	(xrf2) =	vadd.scan.msk.f32 $0xffff, v16;
	v39 =	vmul.f32 v37, v37;
	_ =	sdelay $0x1  }
0x179: {  	v42 =	vmul.f32 $1.562500000e-02, v17;
	v41 =	vmul.f32 v40, v40;
	(xrf2) =	vadd.scan.msk.f32 $0xffff, v39;
	_ =	sdelay $0x1  }
0x17a: {  	v43 =	vmul.f32 v42, v42;
	(xrf2) =	vadd.scan.msk.f32 $0xffff, v41;
	_ =	sdelay $0x1  }
0x17b: {  	(xrf2) =	vadd.scan.msk.f32 $0xffff, v43;
	_ =	sdelay $0x3  }
0x17c: {  	v44, _, _ =	vpop (xrf2)  }
0x17d: {  	(v2sf) =	vpush v44, $0xF  }
0x17e: {  	v45, _, _ =	vpop (xrf2)  }
0x17f: {  	(v2sf) =	vpush v45, $0xF  }
0x180: {  	v46, _, _ =	vpop (xrf2)  }
0x181: {  	(v2sf) =	vpush v46, $0xF  }
0x182: {  	v47, _, _ =	vpop (xrf2)  }
0x183: {  	(v2sf) =	vpush v47, $0xF;
	_ =	sdelay $0x8  }
0x184: {  	s15 =	spop (v2sf)  }
0x185: {  	s0 =	sadd.f32 $0.0e+00, s15  }
0x186: {  	s16 =	spop (v2sf)  }
0x187: {  	s0 =	sadd.f32 s16, s0  }
0x188: {  	s17 =	spop (v2sf)  }
0x189: {  	s0 =	sadd.f32 s17, s0  }
0x18a: {  	s18 =	spop (v2sf)  }
0x18b: {  	s0 =	sadd.f32 s18, s0;
	_ =	sdelay $0x1  }
0x18c: {  	s0 =	smul.f32 $6.400000000e+01, s0;
	_ =	sdelay $0x1  }
0x18d: {  	s0 =	smul.f32 $9.999999770e-03, s0;
	_ =	sdelay $0x1  }
0x18e: {  	vm5 =	vcmask $0x300;
	[sflag:s8] =	ssyncset.done $0x0;
	v48 =	vmov s0  }
0x18f: {  	[sflag:s8] =	ssyncadd.s32 $0xFFFFF000;
	v16 =	vnsel vm5, $0x0, v48  }
0x190: {  	s20 =	simm.s32 $0x2080;
	s19 =	rddreg [dreg:$0x2];
	[tilespmem:$0x2080] =	vst v16  }
0x191: {  	vm12 =	vgt.f32 v15, $0.0e+00;
	[hbm4b:s19+s7] =	stream.linear.scatter [tilespmem:s20], [sflag:$0x1], $0x80, $0x38;
	[tilespmem:$0x2100] =	vst v63  }
0x192: {  	v15 =	vsel vm12, $0x3F800000, v8;
	_ =	swait.ge [sflag:s8], $0x80  }
0x193: {  	vm13 =	vgt.f32 v14, $0.0e+00;
	(xrf2) =	vadd.scan.msk.f32 $0xffff, v15  }
0x194: {  	v14 =	vsel vm13, $0x3F800000, v8  }
0x195: {  	vm14 =	vgt.f32 v36, $0.0e+00;
	(xrf2) =	vadd.scan.msk.f32 $0xffff, v14  }
0x196: {  	v49 =	vsel vm14, $0x3F800000, v8  }
0x197: {  	vm15 =	vgt.f32 v17, $0.0e+00;
	(xrf2) =	vadd.scan.msk.f32 $0xffff, v49  }
0x198: {  	v17 =	vsel vm15, $0x3F800000, v8  }
0x199: {  	(xrf2) =	vadd.scan.msk.f32 $0xffff, v17;
	_ =	sdelay $0x3  }
0x19a: {  	v50, _, _ =	vpop (xrf2)  }
0x19b: {  	(v2sf) =	vpush v50, $0xF  }
0x19c: {  	v51, _, _ =	vpop (xrf2)  }
0x19d: {  	(v2sf) =	vpush v51, $0xF  }
0x19e: {  	v52, _, _ =	vpop (xrf2)  }
0x19f: {  	(v2sf) =	vpush v52, $0xF  }
0x1a0: {  	v53, _, _ =	vpop (xrf2)  }
0x1a1: {  	(v2sf) =	vpush v53, $0xF;
	_ =	sdelay $0x8  }
0x1a2: {  	s21 =	spop (v2sf)  }
0x1a3: {  	s0 =	sadd.f32 $0.0e+00, s21  }
0x1a4: {  	s22 =	spop (v2sf)  }
0x1a5: {  	s1 =	sadd.f32 s22, s0  }
0x1a6: {  	s23 =	spop (v2sf)  }
0x1a7: {  	s2 =	sadd.f32 s23, s1  }
0x1a8: {  	s24 =	spop (v2sf)  }
0x1a9: {  	s3 =	sadd.f32 s24, s2;
	_ =	sdelay $0x1  }
0x1aa: {  	v15 =	vsub.f32 v50, v15;
	v14 =	vsub.f32 v51, v14;
	s25 =	sadd.f32 $-1.000000000e+00, s3;
	_ =	sdelay $0x1  }
0x1ab: {  	v16 =	vsub.f32 v52, v49;
	v14 =	vadd.f32 s0, v14;
	vm8 =	veq.f32 v15, s25  }
0x1ac: {  	v17 =	vsub.f32 v53, v17;
	vm4 =	vmand vm12, vm8  }
0x1ad: {  	v16 =	vadd.f32 s1, v16;
	vm9 =	veq.f32 v14, s25;
	v54 =	vnsel vm4, $0x0, v9  }
0x1ae: {  	vm4 =	vmand vm13, vm9;
	(xrf2) =	vadd.scan.msk.f32 $0xffff, v54  }
0x1af: {  	v17 =	vadd.f32 s2, v17;
	vm10 =	veq.f32 v16, s25;
	v55 =	vnsel vm4, $0x0, v10  }
0x1b0: {  	vm4 =	vmand vm14, vm10;
	(xrf2) =	vadd.scan.msk.f32 $0xffff, v55  }
0x1b1: {  	vm11 =	veq.f32 v17, s25;
	v56 =	vnsel vm4, $0x0, v11  }
0x1b2: {  	vm4 =	vmand vm15, vm11;
	(xrf2) =	vadd.scan.msk.f32 $0xffff, v56  }
0x1b3: {  	v57 =	vnsel vm4, $0x0, v12  }
0x1b4: {  	(xrf2) =	vadd.scan.msk.f32 $0xffff, v57;
	_ =	sdelay $0x3  }
0x1b5: {  	v58, _, _ =	vpop (xrf2)  }
0x1b6: {  	(v2sf) =	vpush v58, $0xF  }
0x1b7: {  	v59, _, _ =	vpop (xrf2)  }
0x1b8: {  	(v2sf) =	vpush v59, $0xF  }
0x1b9: {  	v60, _, _ =	vpop (xrf2)  }
0x1ba: {  	(v2sf) =	vpush v60, $0xF  }
0x1bb: {  	v61, _, _ =	vpop (xrf2)  }
0x1bc: {  	(v2sf) =	vpush v61, $0xF;
	_ =	sdelay $0x3  }
0x1bd: {  	v15 =	vtrunc.f32 v15  }
0x1be: {  	v14 =	vtrunc.f32 v14;
	v15 =	vcvt.f32.s32 v15  }
0x1bf: {  	v16 =	vtrunc.f32 v16;
	v14 =	vcvt.f32.s32 v14  }
0x1c0: {  	v17 =	vtrunc.f32 v17;
	v16 =	vcvt.f32.s32 v16  }
0x1c1: {  	v17 =	vcvt.f32.s32 v17  }
0x1c2: {  	[sflag:s8] =	ssyncset.done $0x0;
	s26 =	spop (v2sf)  }
0x1c3: {  	[sflag:s8] =	ssyncadd.s32 $0xFFFFFF80;
	s0 =	sadd.f32 $0.0e+00, s26  }
0x1c4: {  	[tilespmem:v15+s11+$0x0] =	vst.idx.msk vm12, v0;
	s28 =	spop (v2sf)  }
0x1c5: {  	[tilespmem:v14+s11+$0x0] =	vst.idx.msk vm13, v5;
	s0 =	sadd.f32 s0, s28  }
0x1c6: {  	[tilespmem:v16+s11+$0x0] =	vst.idx.msk vm14, v6;
	s29 =	spop (v2sf)  }
0x1c7: {  	[tilespmem:v17+s11+$0x0] =	vst.idx.msk vm15, v7;
	s0 =	sadd.f32 s0, s29  }
0x1c8: {  	v14 =	vld [tilespmem:$0x2000];
	s30 =	spop (v2sf)  }
0x1c9: {  	s31 =	scvt.f32.s32 s3;
	v15 =	vld [tilespmem:$0x2010];
	s0 =	sadd.f32 s0, s30  }
0x1ca: {  	v16 =	vld [tilespmem:$0x2020]  }
0x1cb: {  	v62 =	vmov s31;
	v63 =	vld [tilespmem:$0x2030];
	[tilespmem:$0x2050] =	vst v13;
	s0 =	scvt.f32.s32 s0  }
0x1cc: {  	vm12 =	vgt.s32 v62, v0;
	[tilespmem:$0x2060] =	vst v13  }
0x1cd: {  	vm13 =	vgt.s32 v62, v5;
	[tilespmem:$0x2070] =	vst v13;
	v14 =	vnsel vm12, s0, v14  }
0x1ce: {  	vm14 =	vgt.s32 v62, v6;
	[tilespmem:$0x2000] =	vst v14;
	v14 =	vnsel vm13, s0, v15  }
0x1cf: {  	vm15 =	vgt.s32 v62, v7;
	[tilespmem:$0x2010] =	vst v14;
	v14 =	vnsel vm14, s0, v16  }
0x1d0: {  	s12 =	sadd.s32 $0x1, s12;
	[tilespmem:$0x2020] =	vst v14;
	v14 =	vnsel vm15, s0, v63  }
0x1d1: {  	p0 =	sne.s32 s12, s6;
	[tilespmem:$0x2030] =	vst v14;
	v14 =	vnsel vm5, $0x0, v62  }
.Ltmp2:
0x1d2: {  	[tilespmem:$0x2040] =	vst v14;
	(pc) =	sbr.rel @p0 .LBB2_2-.Ltmp2, $4  }
0x1d3: {  	[hbm4b:s5+s7] =	stream.linear.scatter [tilespmem:s11], [sflag:$0x1], $0x80, $0x38;
	[tilespmem:$0x2100] =	vst v63  }
0x1d4: {  	_ =	swait.ge [sflag:s8], $0x80  }
0x1d5: {  	[sflag:s8] =	ssyncset.done $0x0  }
0x1d6: {  	[sflag:s8] =	ssyncadd.s32 $0xFFFFFF80  }
.LBB2_5:
0x1d7: {  	_ =	sfence.sel $0x180000  }
0x1d8: {  	[bflag:$0x0] =	sbarrier.arrive $0xFFFF  }
0x1d9: {  	_ =	strace $0x90000047  }
0x1da: {  	s0 =	stileid.u32;
	[bflag:$0x2] =	sbarrier.arrive $0xFFFF  }
0x1db: {  	p0 =	sne.s32 s0, $0x0;
	s0 =	rddreg [dreg:$0x3]  }
0x1dc: {  	s0 =	sadd.s32 @!p0 $0x100000, s0  }
0x1dd: {  	[sflag:s0] =	ssyncadd.tile.s32 @!p0 $0x1;
	_ =	shalt  }
.Lfunc_end2:
_tile_overlayer_lowered:
.L_overlay_start_2:
0x1de: {  	(tag) =	ssettag $0x2  }
0x1df: {  	s0 =	rddreg [dreg:$0x0];
	s2 =	stileid.u32  }
0x1e0: {  	s1 =	rddreg [dreg:$0x1];
	p0 =	sne.s32 s2, $0x0  }
0x1e1: {  	s3 =	rddreg [dreg:$0x2];
	[bflag:$0x3] =	sbarrier.arrive $0xFFFF;
	s2 =	simm.s32 @!p0 $0x1C01  }
0x1e2: {  	[timem:s3], [sflag:s2] =	dma.local @!p0 [hbm:s0], s1  }
0x1e3: {  	s0 =	simm.s32 @!p0 $0x1  }
0x1e4: {  	_ =	swait.ge @!p0 [sflag:s0], s1  }
0x1e5: {  	s1 =	ssub.s32 @!p0 $0x0, s1;
	[sflag:s0] =	ssyncset.done @!p0 $0x0  }
0x1e6: {  	[sflag:s0] =	ssyncadd.s32 @!p0 s1  }
0x1e7: {  	[bflag:$0x3] =	sbarrier.arrive $0xFFFF  }
0x1e8: {  	_ =	shalt  }

</sc_bundles>
